<compile_context>
chip_gen: v7x
topology: tpu7x:2x2x1
jax: 0.10.2.dev20260603
libtpu: 0.0.44.dev20260713+nightly
codegen_flags: <defaults>
</compile_context>

<pallas_src>
import functools

import jax
import jax.numpy as jnp
from jax import lax
from jax.experimental import pallas as pl
from jax.experimental.pallas import tpu as pltpu
from jax.experimental.pallas import tpu_sc as plsc

_N = 5000
_SIGMA = 0.5
_NC = 2
_NS = 16
_L = 16
_NW = _NC * _NS
_NP = 5120
_ROWS = _NP // _NW
_RV = _ROWS // _L
_RBLK = 2


def _soft_nms_sc(x1, y1, x2, y2, sc):
    mesh = plsc.VectorSubcoreMesh(core_axis_name="c", subcore_axis_name="s")

    @functools.partial(
        pl.kernel,
        mesh=mesh,
        out_type=jax.ShapeDtypeStruct((_NP,), jnp.float32),
        scratch_types=[pltpu.VMEM((_NP,), jnp.float32)] * 5
        + [pltpu.VMEM((_ROWS,), jnp.float32)],
    )
    def k(x1h, y1h, x2h, y2h, sch, outh, x1v, y1v, x2v, y2v, scv, outv):
        wid = lax.axis_index("s") * _NC + lax.axis_index("c")
        base = wid * _ROWS
        pltpu.sync_copy(x1h, x1v)
        pltpu.sync_copy(y1h, y1v)
        pltpu.sync_copy(x2h, x2v)
        pltpu.sync_copy(y2h, y2v)
        pltpu.sync_copy(sch, scv)

        for r0 in range(0, _RV, _RBLK):
            x1i, y1i, x2i, y2i, ari, sci = [], [], [], [], [], []
            for rb in range(_RBLK):
                off = base + (r0 + rb) * _L
                a = x1v[pl.ds(off, _L)]
                b = y1v[pl.ds(off, _L)]
                c = x2v[pl.ds(off, _L)]
                d = y2v[pl.ds(off, _L)]
                x1i.append(a)
                y1i.append(b)
                x2i.append(c)
                y2i.append(d)
                ari.append((c - a) * (d - b))
                sci.append(scv[pl.ds(off, _L)])

            def jbody(jj, accs):
                accs = list(accs)
                jo = jj * _L
                x1jv = x1v[pl.ds(jo, _L)]
                y1jv = y1v[pl.ds(jo, _L)]
                x2jv = x2v[pl.ds(jo, _L)]
                y2jv = y2v[pl.ds(jo, _L)]
                scjv = scv[pl.ds(jo, _L)]
                arjv = (x2jv - x1jv) * (y2jv - y1jv)
                for u in range(_L):
                    x1j = jnp.full((_L,), x1jv[u], jnp.float32)
                    y1j = jnp.full((_L,), y1jv[u], jnp.float32)
                    x2j = jnp.full((_L,), x2jv[u], jnp.float32)
                    y2j = jnp.full((_L,), y2jv[u], jnp.float32)
                    arj = jnp.full((_L,), arjv[u], jnp.float32)
                    scj = jnp.full((_L,), scjv[u], jnp.float32)
                    for rb in range(_RBLK):
                        xx1 = jnp.maximum(x1i[rb], x1j)
                        yy1 = jnp.maximum(y1i[rb], y1j)
                        xx2 = jnp.minimum(x2i[rb], x2j)
                        yy2 = jnp.minimum(y2i[rb], y2j)
                        w = jnp.maximum(xx2 - xx1, 0.0)
                        h = jnp.maximum(yy2 - yy1, 0.0)
                        inter = w * h
                        union = (ari[rb] + arj) - inter
                        iou = inter / union
                        rm = jnp.where(scj > sci[rb], iou, 0.0)
                        accs[rb] = accs[rb] + rm * rm
                return tuple(accs)

            accs = lax.fori_loop(
                0,
                _NP // _L,
                jbody,
                tuple(jnp.zeros((_L,), jnp.float32) for _ in range(_RBLK)),
            )
            for rb in range(_RBLK):
                nv = sci[rb] * jnp.exp(accs[rb] * (-1.0 / _SIGMA))
                outv[pl.ds((r0 + rb) * _L, _L)] = nv

        pltpu.sync_copy(outv, outh.at[pl.ds(base, _ROWS)])

    return k(x1, y1, x2, y2, sc)


_BM = 256
_BN = 1024


def _tc_body(x1i_r, y1i_r, x2i_r, y2i_r, ari_r, sci_r,
             x1j_r, y1j_r, x2j_r, y2j_r, arj_r, scj_r,
             out_r, acc_r):
    j = pl.program_id(1)
    nj = pl.num_programs(1)

    @pl.when(j == 0)
    def _():
        acc_r[...] = jnp.zeros_like(acc_r)

    xx1 = jnp.maximum(x1i_r[...], x1j_r[...])
    yy1 = jnp.maximum(y1i_r[...], y1j_r[...])
    xx2 = jnp.minimum(x2i_r[...], x2j_r[...])
    yy2 = jnp.minimum(y2i_r[...], y2j_r[...])
    w = jnp.maximum(xx2 - xx1, 0.0)
    h = jnp.maximum(yy2 - yy1, 0.0)
    inter = w * h
    union = (ari_r[...] + arj_r[...]) - inter
    iou = inter / union
    rm = jnp.where(scj_r[...] > sci_r[...], iou, 0.0)
    acc_r[...] += jnp.sum(rm * rm, axis=1, keepdims=True)

    @pl.when(j == nj - 1)
    def _():
        out_r[...] = sci_r[...] * jnp.exp(acc_r[...] * (-1.0 / _SIGMA))


def _soft_nms_tc(x1, y1, x2, y2, ar, sc):
    col = lambda a: a.reshape(_NP, 1)
    row = lambda a: a.reshape(1, _NP)
    ispec = pl.BlockSpec((_BM, 1), lambda i, j: (i, 0))
    jspec = pl.BlockSpec((1, _BN), lambda i, j: (0, j))
    out = pl.pallas_call(
        _tc_body,
        grid=(_NP // _BM, _NP // _BN),
        in_specs=[ispec] * 6 + [jspec] * 6,
        out_specs=pl.BlockSpec((_BM, 1), lambda i, j: (i, 0)),
        out_shape=jax.ShapeDtypeStruct((_NP, 1), jnp.float32),
        scratch_shapes=[pltpu.VMEM((_BM, 1), jnp.float32)],
        compiler_params=pltpu.CompilerParams(
            dimension_semantics=("parallel", "arbitrary")
        ),
    )(col(x1), col(y1), col(x2), col(y2), col(ar), col(sc),
      row(x1), row(y1), row(x2), row(y2), row(ar), row(sc))
    return out.reshape(_NP)


_BMT = 512


def _tc_tri_body(bi_ref, bj_ref,
                 x1i_r, y1i_r, x2i_r, y2i_r, ari_r, sci_r,
                 x1j_r, y1j_r, x2j_r, y2j_r, arj_r, scj_r,
                 out_r, acc_r):
    t = pl.program_id(0)
    bi = bi_ref[t]
    bj = bj_ref[t]

    @pl.when(bj == 0)
    def _():
        acc_r[...] = jnp.zeros_like(acc_r)

    xx1 = jnp.maximum(x1i_r[...], x1j_r[...])
    yy1 = jnp.maximum(y1i_r[...], y1j_r[...])
    xx2 = jnp.minimum(x2i_r[...], x2j_r[...])
    yy2 = jnp.minimum(y2i_r[...], y2j_r[...])
    w = jnp.maximum(xx2 - xx1, 0.0)
    h = jnp.maximum(yy2 - yy1, 0.0)
    inter = w * h
    union = (ari_r[...] + arj_r[...]) - inter
    iou = inter / union
    rm = jnp.where(scj_r[...] > sci_r[...], iou, 0.0)
    acc_r[...] += jnp.sum(rm * rm, axis=1, keepdims=True)

    @pl.when(bj == bi)
    def _():
        out_r[...] = sci_r[...] * jnp.exp(acc_r[...] * (-1.0 / _SIGMA))


def _soft_nms_tc_tri(x1, y1, x2, y2, ar, sc):
    ni = _NP // _BMT
    steps = [(bi, bj) for bi in range(ni) for bj in range(bi + 1)]
    bi_arr = jnp.array([p[0] for p in steps], jnp.int32)
    bj_arr = jnp.array([p[1] for p in steps], jnp.int32)
    col = lambda a: a.reshape(_NP, 1)
    row = lambda a: a.reshape(1, _NP)
    ispec = pl.BlockSpec((_BMT, 1), lambda t, bi, bj: (bi[t], 0))
    jspec = pl.BlockSpec((1, _BMT), lambda t, bi, bj: (0, bj[t]))
    grid_spec = pltpu.PrefetchScalarGridSpec(
        num_scalar_prefetch=2,
        grid=(len(steps),),
        in_specs=[ispec] * 6 + [jspec] * 6,
        out_specs=pl.BlockSpec((_BMT, 1), lambda t, bi, bj: (bi[t], 0)),
        scratch_shapes=[pltpu.VMEM((_BMT, 1), jnp.float32)],
    )
    out = pl.pallas_call(
        _tc_tri_body,
        grid_spec=grid_spec,
        out_shape=jax.ShapeDtypeStruct((_NP, 1), jnp.float32),
        compiler_params=pltpu.CompilerParams(
            dimension_semantics=("arbitrary",)
        ),
    )(bi_arr, bj_arr,
      col(x1), col(y1), col(x2), col(y2), col(ar), col(sc),
      row(x1), row(y1), row(x2), row(y2), row(ar), row(sc))
    return out.reshape(_NP)


def kernel(boxes, scores):
    order = jnp.argsort(-scores)
    inv = jnp.argsort(order)
    bs = boxes[order]
    ss = scores[order]
    pad = _NP - _N
    x1 = jnp.concatenate([bs[:, 0], jnp.zeros((pad,), jnp.float32)])
    y1 = jnp.concatenate([bs[:, 1], jnp.zeros((pad,), jnp.float32)])
    x2 = jnp.concatenate([bs[:, 2], jnp.ones((pad,), jnp.float32)])
    y2 = jnp.concatenate([bs[:, 3], jnp.ones((pad,), jnp.float32)])
    sc = jnp.concatenate([ss, jnp.full((pad,), -jnp.inf, jnp.float32)])
    ar = (x2 - x1) * (y2 - y1)
    out = _soft_nms_tc_tri(x1, y1, x2, y2, ar, sc)
    return out[:_N][inv]

# --- scband reference (transcript-rebuilt; emitter-appended) ---
"""Pipeline reference for scband-network-9474697855713 (READ-ONLY COPY).

The authoritative reference and input builder live on the scoring server;
editing this copy changes nothing except your own understanding.
"""

import jax, jax.numpy as jnp
import numpy as np

N = 5000
SIGMA = 0.5

def setup_inputs(seed: int = 0) -> dict:
    key = jax.random.key(seed)
    k1, k2, k3 = jax.random.split(key, 3)
    xy = jax.random.uniform(k1, (N, 2), dtype=jnp.float32) * 1000.0
    wh = jax.random.uniform(k2, (N, 2), dtype=jnp.float32) * 100.0 + 1.0
    boxes = jnp.concatenate([xy, xy + wh], axis=1)
    scores = jax.random.uniform(k3, (N,), dtype=jnp.float32)
    return {"boxes": boxes, "scores": scores}

def _pairwise_iou(boxes):
    x1, y1, x2, y2 = boxes[:, 0], boxes[:, 1], boxes[:, 2], boxes[:, 3]
    areas = (x2 - x1) * (y2 - y1)
    xx1 = jnp.maximum(x1[:, None], x1[None, :])
    yy1 = jnp.maximum(y1[:, None], y1[None, :])
    xx2 = jnp.minimum(x2[:, None], x2[None, :])
    yy2 = jnp.minimum(y2[:, None], y2[None, :])
    inter = jnp.clip(xx2 - xx1, 0.0) * jnp.clip(yy2 - yy1, 0.0)
    union = areas[:, None] + areas[None, :] - inter
    return inter / jnp.maximum(union, 1e-8)

def reference(boxes, scores):
    # Soft-NMS (Gaussian decay): each box's score is decayed by every
    # higher-scored overlapping box. Differentiable analogue of the greedy
    # NMS used in the proposal layer of this Faster R-CNN network.
    iou = _pairwise_iou(boxes)
    higher = (scores[None, :] > scores[:, None]).astype(boxes.dtype)
    decay_terms = jnp.exp(-(iou ** 2) / SIGMA) * higher + (1.0 - higher)
    decay = jnp.prod(decay_terms, axis=1)
    new_scores = scores * decay
    return new_scores

if __name__ == "__main__":
    import jax
    _d = setup_inputs()
    print(jax.jit(kernel)(*tuple(_d.values())))

</pallas_src>

<mosaic_0001>
module attributes {stable_mosaic.version = 14 : i64} {
  func.func @_tc_tri_body(%arg0: i32, %arg1: memref<55xi32, #tpu.memory_space<smem>>, %arg2: memref<55xi32, #tpu.memory_space<smem>>, %arg3: memref<512x1xf32, #tpu.memory_space<vmem>>, %arg4: memref<512x1xf32, #tpu.memory_space<vmem>>, %arg5: memref<512x1xf32, #tpu.memory_space<vmem>>, %arg6: memref<512x1xf32, #tpu.memory_space<vmem>>, %arg7: memref<512x1xf32, #tpu.memory_space<vmem>>, %arg8: memref<512x1xf32, #tpu.memory_space<vmem>>, %arg9: memref<1x512xf32, #tpu.memory_space<vmem>>, %arg10: memref<1x512xf32, #tpu.memory_space<vmem>>, %arg11: memref<1x512xf32, #tpu.memory_space<vmem>>, %arg12: memref<1x512xf32, #tpu.memory_space<vmem>>, %arg13: memref<1x512xf32, #tpu.memory_space<vmem>>, %arg14: memref<1x512xf32, #tpu.memory_space<vmem>>, %arg15: memref<512x1xf32, #tpu.memory_space<vmem>>, %arg16: memref<512x1xf32, #tpu.memory_space<vmem>>) attributes {dimension_semantics = [#tpu.dimension_semantics<arbitrary>], iteration_bounds = array<i64: 55>, scalar_prefetch = 2 : i64, scratch_operands = 1 : i64, tpu.core_type = #tpu.core_type<tc>, window_params = [{transform_indices = @transform_0, window_bounds = array<i64: 512, 1>}, {transform_indices = @transform_1, window_bounds = array<i64: 512, 1>}, {transform_indices = @transform_2, window_bounds = array<i64: 512, 1>}, {transform_indices = @transform_3, window_bounds = array<i64: 512, 1>}, {transform_indices = @transform_4, window_bounds = array<i64: 512, 1>}, {transform_indices = @transform_5, window_bounds = array<i64: 512, 1>}, {transform_indices = @transform_6, window_bounds = array<i64: 1, 512>}, {transform_indices = @transform_7, window_bounds = array<i64: 1, 512>}, {transform_indices = @transform_8, window_bounds = array<i64: 1, 512>}, {transform_indices = @transform_9, window_bounds = array<i64: 1, 512>}, {transform_indices = @transform_10, window_bounds = array<i64: 1, 512>}, {transform_indices = @transform_11, window_bounds = array<i64: 1, 512>}, {transform_indices = @transform_12, window_bounds = array<i64: 512, 1>}]} {
    %get3A = arith.index_cast %arg0 : i32 to index
    %get3A_0 = memref.load %arg1[%get3A] : memref<55xi32, #tpu.memory_space<smem>>
    %get3A_1 = arith.index_cast %arg0 : i32 to index
    %get3A_2 = memref.load %arg2[%get3A_1] : memref<55xi32, #tpu.memory_space<smem>>
    %eq3A = arith.constant 0 : i32
    %eq3A_3 = arith.cmpi eq, %get3A_2, %eq3A : i32
    %convert_element_type3A = arith.extui %eq3A_3 : i1 to i32
    %cond3A = arith.constant 0 : i32
    %cond3A_4 = arith.cmpi ne, %convert_element_type3A, %cond3A : i32
    scf.if %cond3A_4 {
      %broadcast_in_dim3A_76 = arith.constant 0.000000e+00 : f32
      %broadcast_in_dim3A_77 = vector.broadcast %broadcast_in_dim3A_76 : f32 to vector<512x1xf32>
      %swap3A_78 = arith.constant 0 : index
      %swap3A_79 = arith.constant 0 : index
      %swap3A_80 = vector.load %arg16[%swap3A_78, %swap3A_79] : memref<512x1xf32, #tpu.memory_space<vmem>>, vector<512x1xf32>
      tpu.vector_store %arg16[%swap3A_78, %swap3A_79], %broadcast_in_dim3A_77 {strides = array<i32>} : memref<512x1xf32, #tpu.memory_space<vmem>>, vector<512x1xf32>,
    } else {
    }
    %get3A_5 = arith.constant 0 : index
    %get3A_6 = arith.constant 0 : index
    %get3A_7 = vector.load %arg3[%get3A_5, %get3A_6] : memref<512x1xf32, #tpu.memory_space<vmem>>, vector<512x1xf32>
    %get3A_8 = arith.constant 0 : index
    %get3A_9 = arith.constant 0 : index
    %get3A_10 = vector.load %arg9[%get3A_8, %get3A_9] : memref<1x512xf32, #tpu.memory_space<vmem>>, vector<1x512xf32>
    %max3A = vector.broadcast %get3A_7 : vector<512x1xf32> to vector<512x512xf32>
    %max3A_11 = vector.broadcast %get3A_10 : vector<1x512xf32> to vector<512x512xf32>
    %max3A_12 = arith.maximumf %max3A, %max3A_11 : vector<512x512xf32>
    %get3A_13 = arith.constant 0 : index
    %get3A_14 = arith.constant 0 : index
    %get3A_15 = vector.load %arg4[%get3A_13, %get3A_14] : memref<512x1xf32, #tpu.memory_space<vmem>>, vector<512x1xf32>
    %get3A_16 = arith.constant 0 : index
    %get3A_17 = arith.constant 0 : index
    %get3A_18 = vector.load %arg10[%get3A_16, %get3A_17] : memref<1x512xf32, #tpu.memory_space<vmem>>, vector<1x512xf32>
    %max3A_19 = vector.broadcast %get3A_15 : vector<512x1xf32> to vector<512x512xf32>
    %max3A_20 = vector.broadcast %get3A_18 : vector<1x512xf32> to vector<512x512xf32>
    %max3A_21 = arith.maximumf %max3A_19, %max3A_20 : vector<512x512xf32>
    %get3A_22 = arith.constant 0 : index
    %get3A_23 = arith.constant 0 : index
    %get3A_24 = vector.load %arg5[%get3A_22, %get3A_23] : memref<512x1xf32, #tpu.memory_space<vmem>>, vector<512x1xf32>
    %get3A_25 = arith.constant 0 : index
    %get3A_26 = arith.constant 0 : index
    %get3A_27 = vector.load %arg11[%get3A_25, %get3A_26] : memref<1x512xf32, #tpu.memory_space<vmem>>, vector<1x512xf32>
    %min3A = vector.broadcast %get3A_24 : vector<512x1xf32> to vector<512x512xf32>
    %min3A_28 = vector.broadcast %get3A_27 : vector<1x512xf32> to vector<512x512xf32>
    %min3A_29 = arith.minimumf %min3A, %min3A_28 : vector<512x512xf32>
    %get3A_30 = arith.constant 0 : index
    %get3A_31 = arith.constant 0 : index
    %get3A_32 = vector.load %arg6[%get3A_30, %get3A_31] : memref<512x1xf32, #tpu.memory_space<vmem>>, vector<512x1xf32>
    %get3A_33 = arith.constant 0 : index
    %get3A_34 = arith.constant 0 : index
    %get3A_35 = vector.load %arg12[%get3A_33, %get3A_34] : memref<1x512xf32, #tpu.memory_space<vmem>>, vector<1x512xf32>
    %min3A_36 = vector.broadcast %get3A_32 : vector<512x1xf32> to vector<512x512xf32>
    %min3A_37 = vector.broadcast %get3A_35 : vector<1x512xf32> to vector<512x512xf32>
    %min3A_38 = arith.minimumf %min3A_36, %min3A_37 : vector<512x512xf32>
    %sub3A = arith.subf %min3A_29, %max3A_12 : vector<512x512xf32>
    %max3A_39 = arith.constant 0.000000e+00 : f32
    %max3A_40 = vector.broadcast %max3A_39 : f32 to vector<512x512xf32>
    %max3A_41 = arith.maximumf %sub3A, %max3A_40 : vector<512x512xf32>
    %sub3A_42 = arith.subf %min3A_38, %max3A_21 : vector<512x512xf32>
    %max3A_43 = arith.constant 0.000000e+00 : f32
    %max3A_44 = vector.broadcast %max3A_43 : f32 to vector<512x512xf32>
    %max3A_45 = arith.maximumf %sub3A_42, %max3A_44 : vector<512x512xf32>
    %mul3A = arith.mulf %max3A_41, %max3A_45 : vector<512x512xf32>
    %get3A_46 = arith.constant 0 : index
    %get3A_47 = arith.constant 0 : index
    %get3A_48 = vector.load %arg7[%get3A_46, %get3A_47] : memref<512x1xf32, #tpu.memory_space<vmem>>, vector<512x1xf32>
    %get3A_49 = arith.constant 0 : index
    %get3A_50 = arith.constant 0 : index
    %get3A_51 = vector.load %arg13[%get3A_49, %get3A_50] : memref<1x512xf32, #tpu.memory_space<vmem>>, vector<1x512xf32>
    %add3A = vector.broadcast %get3A_48 : vector<512x1xf32> to vector<512x512xf32>
    %add3A_52 = vector.broadcast %get3A_51 : vector<1x512xf32> to vector<512x512xf32>
    %add3A_53 = arith.addf %add3A, %add3A_52 : vector<512x512xf32>
    %sub3A_54 = arith.subf %add3A_53, %mul3A : vector<512x512xf32>
    %div3A = arith.divf %mul3A, %sub3A_54 : vector<512x512xf32>
    %get3A_55 = arith.constant 0 : index
    %get3A_56 = arith.constant 0 : index
    %get3A_57 = vector.load %arg14[%get3A_55, %get3A_56] : memref<1x512xf32, #tpu.memory_space<vmem>>, vector<1x512xf32>
    %get3A_58 = arith.constant 0 : index
    %get3A_59 = arith.constant 0 : index
    %get3A_60 = vector.load %arg8[%get3A_58, %get3A_59] : memref<512x1xf32, #tpu.memory_space<vmem>>, vector<512x1xf32>
    %gt3A = vector.broadcast %get3A_57 : vector<1x512xf32> to vector<512x512xf32>
    %gt3A_61 = vector.broadcast %get3A_60 : vector<512x1xf32> to vector<512x512xf32>
    %gt3A_62 = arith.cmpf ogt, %gt3A, %gt3A_61 : vector<512x512xf32>
    %jit3A = arith.constant 0.000000e+00 : f32
    %broadcast_in_dim3A = vector.broadcast %jit3A : f32 to vector<512x512xf32>
    %select_n3A = arith.select %gt3A_62, %div3A, %broadcast_in_dim3A : vector<512x512xi1>, vector<512x512xf32>
    %get3A_63 = arith.constant 0 : index
    %get3A_64 = arith.constant 0 : index
    %get3A_65 = vector.load %arg16[%get3A_63, %get3A_64] : memref<512x1xf32, #tpu.memory_space<vmem>>, vector<512x1xf32>
    %mul3A_66 = arith.mulf %select_n3A, %select_n3A : vector<512x512xf32>
    %reduce_sum3A = arith.constant dense<0.000000e+00> : vector<512xf32>
    %reduce_sum3A_67 = vector.multi_reduction <add>, %mul3A_66, %reduce_sum3A [1] : vector<512x512xf32> to vector<512xf32>
    %broadcast_in_dim3A_68 = vector.shape_cast %reduce_sum3A_67 : vector<512xf32> to vector<512x1xf32>
    %add3A_69 = arith.addf %get3A_65, %broadcast_in_dim3A_68 : vector<512x1xf32>
    %swap3A = arith.constant 0 : index
    %swap3A_70 = arith.constant 0 : index
    %swap3A_71 = vector.load %arg16[%swap3A, %swap3A_70] : memref<512x1xf32, #tpu.memory_space<vmem>>, vector<512x1xf32>
    tpu.vector_store %arg16[%swap3A, %swap3A_70], %add3A_69 {strides = array<i32>} : memref<512x1xf32, #tpu.memory_space<vmem>>, vector<512x1xf32>,
    %eq3A_72 = arith.cmpi eq, %get3A_2, %get3A_0 : i32
    %convert_element_type3A_73 = arith.extui %eq3A_72 : i1 to i32
    %cond3A_74 = arith.constant 0 : i32
    %cond3A_75 = arith.cmpi ne, %convert_element_type3A_73, %cond3A_74 : i32
    scf.if %cond3A_75 {
      %get3A_76 = arith.constant 0 : index
      %get3A_77 = arith.constant 0 : index
      %get3A_78 = vector.load %arg8[%get3A_76, %get3A_77] : memref<512x1xf32, #tpu.memory_space<vmem>>, vector<512x1xf32>
      %get3A_79 = arith.constant 0 : index
      %get3A_80 = arith.constant 0 : index
      %get3A_81 = vector.load %arg16[%get3A_79, %get3A_80] : memref<512x1xf32, #tpu.memory_space<vmem>>, vector<512x1xf32>
      %mul3A_82 = arith.constant -2.000000e+00 : f32
      %mul3A_83 = vector.broadcast %mul3A_82 : f32 to vector<512x1xf32>
      %mul3A_84 = arith.mulf %get3A_81, %mul3A_83 : vector<512x1xf32>
      %exp3A = math.exp %mul3A_84 : vector<512x1xf32>
      %mul3A_85 = arith.mulf %get3A_78, %exp3A : vector<512x1xf32>
      %swap3A_86 = arith.constant 0 : index
      %swap3A_87 = arith.constant 0 : index
      %swap3A_88 = vector.load %arg15[%swap3A_86, %swap3A_87] : memref<512x1xf32, #tpu.memory_space<vmem>>, vector<512x1xf32>
      tpu.vector_store %arg15[%swap3A_86, %swap3A_87], %mul3A_85 {strides = array<i32>} : memref<512x1xf32, #tpu.memory_space<vmem>>, vector<512x1xf32>,
    } else {
    }
    return
  }
  func.func @transform_0(%arg0: i32, %arg1: memref<55xi32, #tpu.memory_space<smem>>, %arg2: memref<55xi32, #tpu.memory_space<smem>>) -> (i32, i32) {
    %get3A = arith.index_cast %arg0 : i32 to index
    %get3A_0 = memref.load %arg1[%get3A] : memref<55xi32, #tpu.memory_space<smem>>
    %c0_i32 = arith.constant 0 : i32
    %c0_i32_1 = arith.constant 0 : i32
    return %get3A_0, %c0_i32 : i32, i32
  }
  func.func @transform_1(%arg0: i32, %arg1: memref<55xi32, #tpu.memory_space<smem>>, %arg2: memref<55xi32, #tpu.memory_space<smem>>) -> (i32, i32) {
    %get3A = arith.index_cast %arg0 : i32 to index
    %get3A_0 = memref.load %arg1[%get3A] : memref<55xi32, #tpu.memory_space<smem>>
    %c0_i32 = arith.constant 0 : i32
    %c0_i32_1 = arith.constant 0 : i32
    return %get3A_0, %c0_i32 : i32, i32
  }
  func.func @transform_2(%arg0: i32, %arg1: memref<55xi32, #tpu.memory_space<smem>>, %arg2: memref<55xi32, #tpu.memory_space<smem>>) -> (i32, i32) {
    %get3A = arith.index_cast %arg0 : i32 to index
    %get3A_0 = memref.load %arg1[%get3A] : memref<55xi32, #tpu.memory_space<smem>>
    %c0_i32 = arith.constant 0 : i32
    %c0_i32_1 = arith.constant 0 : i32
    return %get3A_0, %c0_i32 : i32, i32
  }
  func.func @transform_3(%arg0: i32, %arg1: memref<55xi32, #tpu.memory_space<smem>>, %arg2: memref<55xi32, #tpu.memory_space<smem>>) -> (i32, i32) {
    %get3A = arith.index_cast %arg0 : i32 to index
    %get3A_0 = memref.load %arg1[%get3A] : memref<55xi32, #tpu.memory_space<smem>>
    %c0_i32 = arith.constant 0 : i32
    %c0_i32_1 = arith.constant 0 : i32
    return %get3A_0, %c0_i32 : i32, i32
  }
  func.func @transform_4(%arg0: i32, %arg1: memref<55xi32, #tpu.memory_space<smem>>, %arg2: memref<55xi32, #tpu.memory_space<smem>>) -> (i32, i32) {
    %get3A = arith.index_cast %arg0 : i32 to index
    %get3A_0 = memref.load %arg1[%get3A] : memref<55xi32, #tpu.memory_space<smem>>
    %c0_i32 = arith.constant 0 : i32
    %c0_i32_1 = arith.constant 0 : i32
    return %get3A_0, %c0_i32 : i32, i32
  }
  func.func @transform_5(%arg0: i32, %arg1: memref<55xi32, #tpu.memory_space<smem>>, %arg2: memref<55xi32, #tpu.memory_space<smem>>) -> (i32, i32) {
    %get3A = arith.index_cast %arg0 : i32 to index
    %get3A_0 = memref.load %arg1[%get3A] : memref<55xi32, #tpu.memory_space<smem>>
    %c0_i32 = arith.constant 0 : i32
    %c0_i32_1 = arith.constant 0 : i32
    return %get3A_0, %c0_i32 : i32, i32
  }
  func.func @transform_6(%arg0: i32, %arg1: memref<55xi32, #tpu.memory_space<smem>>, %arg2: memref<55xi32, #tpu.memory_space<smem>>) -> (i32, i32) {
    %get3A = arith.index_cast %arg0 : i32 to index
    %get3A_0 = memref.load %arg2[%get3A] : memref<55xi32, #tpu.memory_space<smem>>
    %c0_i32 = arith.constant 0 : i32
    %c0_i32_1 = arith.constant 0 : i32
    return %c0_i32, %get3A_0 : i32, i32
  }
  func.func @transform_7(%arg0: i32, %arg1: memref<55xi32, #tpu.memory_space<smem>>, %arg2: memref<55xi32, #tpu.memory_space<smem>>) -> (i32, i32) {
    %get3A = arith.index_cast %arg0 : i32 to index
    %get3A_0 = memref.load %arg2[%get3A] : memref<55xi32, #tpu.memory_space<smem>>
    %c0_i32 = arith.constant 0 : i32
    %c0_i32_1 = arith.constant 0 : i32
    return %c0_i32, %get3A_0 : i32, i32
  }
  func.func @transform_8(%arg0: i32, %arg1: memref<55xi32, #tpu.memory_space<smem>>, %arg2: memref<55xi32, #tpu.memory_space<smem>>) -> (i32, i32) {
    %get3A = arith.index_cast %arg0 : i32 to index
    %get3A_0 = memref.load %arg2[%get3A] : memref<55xi32, #tpu.memory_space<smem>>
    %c0_i32 = arith.constant 0 : i32
    %c0_i32_1 = arith.constant 0 : i32
    return %c0_i32, %get3A_0 : i32, i32
  }
  func.func @transform_9(%arg0: i32, %arg1: memref<55xi32, #tpu.memory_space<smem>>, %arg2: memref<55xi32, #tpu.memory_space<smem>>) -> (i32, i32) {
    %get3A = arith.index_cast %arg0 : i32 to index
    %get3A_0 = memref.load %arg2[%get3A] : memref<55xi32, #tpu.memory_space<smem>>
    %c0_i32 = arith.constant 0 : i32
    %c0_i32_1 = arith.constant 0 : i32
    return %c0_i32, %get3A_0 : i32, i32
  }
  func.func @transform_10(%arg0: i32, %arg1: memref<55xi32, #tpu.memory_space<smem>>, %arg2: memref<55xi32, #tpu.memory_space<smem>>) -> (i32, i32) {
    %get3A = arith.index_cast %arg0 : i32 to index
    %get3A_0 = memref.load %arg2[%get3A] : memref<55xi32, #tpu.memory_space<smem>>
    %c0_i32 = arith.constant 0 : i32
    %c0_i32_1 = arith.constant 0 : i32
    return %c0_i32, %get3A_0 : i32, i32
  }
  func.func @transform_11(%arg0: i32, %arg1: memref<55xi32, #tpu.memory_space<smem>>, %arg2: memref<55xi32, #tpu.memory_space<smem>>) -> (i32, i32) {
    %get3A = arith.index_cast %arg0 : i32 to index
    %get3A_0 = memref.load %arg2[%get3A] : memref<55xi32, #tpu.memory_space<smem>>
    %c0_i32 = arith.constant 0 : i32
    %c0_i32_1 = arith.constant 0 : i32
    return %c0_i32, %get3A_0 : i32, i32
  }
  func.func @transform_12(%arg0: i32, %arg1: memref<55xi32, #tpu.memory_space<smem>>, %arg2: memref<55xi32, #tpu.memory_space<smem>>) -> (i32, i32) {
    %get3A = arith.index_cast %arg0 : i32 to index
    %get3A_0 = memref.load %arg1[%get3A] : memref<55xi32, #tpu.memory_space<smem>>
    %c0_i32 = arith.constant 0 : i32
    %c0_i32_1 = arith.constant 0 : i32
    return %get3A_0, %c0_i32 : i32, i32
  }
}

</mosaic_0001>

<sc_bundles>
// kernel: gather_offload_async_start.1
scs
__scs_entry_jumppad:
0x0: {  	(pc) =	sbr.rel $0x88, $3  }
0x1: {  	(tag) =	ssettag $0x0;
	lr =	simm.s32 $0x1  }
0x2: {  	[smem:$0x3F9F] =	sst lr;
	_ =	strace $0xD0000000  }
0x3: {  	_ = 	snop  }
0x4: {  	_ = 	snop  }
0x5: {  	_ = 	snop  }
0x6: {  	_ = 	snop  }
0x7: {  	_ = 	snop  }
__scs_overlays_trampoline_lowered:
0x8: {  	[smem:$0x3FAE] =	sst s0  }
0x9: {  	[smem:$0x3FAF] =	sst s1  }
0xa: {  	[smem:$0x3FB0] =	sst s2  }
0xb: {  	[smem:$0x3FB1] =	sst s3  }
0xc: {  	[smem:$0x3FB2] =	sst s4  }
0xd: {  	[smem:$0x3FB3] =	sst s5  }
0xe: {  	[smem:$0x3FB4] =	sst s6  }
0xf: {  	[smem:$0x3FB5] =	sst s7  }
0x10: {  	[smem:$0x3FB6] =	sst s8  }
0x11: {  	[smem:$0x3FB7] =	sst s9;
	s0 =	simm.s32 @!p0 $0x0  }
0x12: {  	s1 =	sld [smem:$0x3F9D];
	s0 =	simm.s32 @p0 $0x1  }
0x13: {  	[smem:$0x3FB8] =	sst s0;
	s0 =	simm.s32 @!p1 $0x0  }
0x14: {  	s2 =	sld [smem:$0x3F9C];
	s0 =	simm.s32 @p1 $0x1  }
0x15: {  	[smem:$0x3FB9] =	sst s0;
	s0 =	simm.s32 @!p2 $0x0  }
0x16: {  	s3 =	sld [smem:$0x3FDB];
	s0 =	simm.s32 @p2 $0x1  }
0x17: {  	s4 =	simm.s32 $0x1BF5;
	[smem:$0x3FBB] =	sst s0  }
0x18: {  	s0 =	sld [smem:$0x3F9E];
	_ =	swait.ge [sflag:s4], $0x0  }
0x19: {  	s7 =	sld [smem:$0x3F9F]  }
0x1a: {  	s8 =	sadd.s32 $0xFFFFE003, lr  }
0x1b: {  	s9 =	sadd.s32 $0xFFFFFEF7, lr;
	s5 =	simm.s32 $0xFFFFFFFF;
	p2 =	slt.u32 s8, $0xFFFFF086  }
0x1c: {  	p1 =	slt.u32 s9, $0xF7A;
	s5 =	simm.s32 @!p2 $0x0  }
0x1d: {  	s5 =	simm.s32 @p1 $0x1;
	p0 =	seq.s32 s7, s2  }
0x1e: {  	s7 =	smul.u32 @!p0 $0xF7A, s2;
	p2 =	seq.s32 @!p0 s5, $0x0  }
0x1f: {  	s9 =	smul.u32 $0xF7A, s1;
	s8 =	simm.s32 @!p0 $0x1BF5;
	p2 =	por !p2, p0  }
0x20: {  	[sflag:s8] =	ssyncset.s32 @!p0 $0xFFFFF086;
	s6 =	sadd.s32 @!p0 s3, s7;
	s7 =	simm.s32 @!p0 $0x108  }
0x21: {  	s3 =	sadd.s32 s3, s9;
	s6 =	sadd.s32 @!p0 $0x88, s6;
	s7 =	simm.s32 @p2 $0x1082  }
0x22: {  	[simem:s7], [sflag:s8] =	dma.local @!p0 [hbm:s6], $0xF7A  }
0x23: {  	s9 =	sor.u32 $0xD0000000, s2;
	s6 =	simm.s32 $0x108;
	_ =	swait.ge @!p0 [sflag:s8], $0x0  }
0x24: {  	s3 =	sadd.s32 $0x88, s3;
	s6 =	simm.s32 @!p1 $0x1082;
	[sflag:s4] =	ssyncset.s32 $0xFFFFF086  }
0x25: {  	[simem:s6], [sflag:s4] =	dma.local [hbm:s3], $0xF7A  }
0x26: {  	[smem:$0x3F9F] =	sst s1;
	(tag) =	ssettag s2;
	_ =	strace s9  }
0x27: {  	s1 =	sld [smem:$0x3FAF]  }
0x28: {  	s2 =	sld [smem:$0x3FB0]  }
0x29: {  	s4 =	sld [smem:$0x3FB2]  }
0x2a: {  	p0 =	seq.s32 s5, $0x0;
	s5 =	sld [smem:$0x3FB3]  }
0x2b: {  	s6 =	sld [smem:$0x3FB4]  }
0x2c: {  	s7 =	sld [smem:$0x3FB5]  }
0x2d: {  	s3 =	simm.s32 $0x108;
	s8 =	sld [smem:$0x3FB6]  }
0x2e: {  	s3 =	simm.s32 @!p0 $0x1082;
	s9 =	sld [smem:$0x3FB7]  }
0x2f: {  	lr =	sadd.s32 s0, s3;
	s0 =	sld [smem:$0x3FAE]  }
0x30: {  	s3 =	sld [smem:$0x3FB1]  }
0x31: {  	[smem:$0x3FBA] =	sst s10  }
0x32: {  	s10 =	sld [smem:$0x3FB8];
	_ =	sdelay $0x3  }
0x33: {  	p0 =	seq.s32 s10, $0x1;
	s10 =	sld [smem:$0x3FBA];
	_ =	sdelay $0x3  }
0x34: {  	[smem:$0x3FBA] =	sst s10  }
0x35: {  	s10 =	sld [smem:$0x3FB9];
	_ =	sdelay $0x3  }
0x36: {  	p1 =	seq.s32 s10, $0x1;
	s10 =	sld [smem:$0x3FBA];
	_ =	sdelay $0x3  }
0x37: {  	[smem:$0x3FBA] =	sst s10  }
0x38: {  	s10 =	sld [smem:$0x3FBB]  }
0x39: {  	_ = 	snop;
	(pc) =	sbr.ind lr, $3  }
0x3a: {  	_ = 	snop  }
0x3b: {  	_ = 	snop  }
0x3c: {  	p2 =	seq.s32 s10, $0x1;
	s10 =	sld [smem:$0x3FBA]  }
0x3d: {  	_ =	shalt  }
0x3e: {  	_ =	shalt  }
0x3f: {  	_ =	shalt  }
0x40: {  	_ =	shalt  }
0x41: {  	_ =	shalt  }
0x42: {  	_ =	shalt  }
0x43: {  	_ =	shalt  }
0x44: {  	_ =	shalt  }
0x45: {  	_ =	shalt  }
0x46: {  	_ =	shalt  }
0x47: {  	_ =	shalt  }
0x48: {  	_ =	shalt  }
0x49: {  	_ =	shalt  }
0x4a: {  	_ =	shalt  }
0x4b: {  	_ =	shalt  }
0x4c: {  	_ =	shalt  }
0x4d: {  	_ =	shalt  }
0x4e: {  	_ =	shalt  }
0x4f: {  	_ =	shalt  }
0x50: {  	_ =	shalt  }
0x51: {  	_ =	shalt  }
0x52: {  	_ =	shalt  }
0x53: {  	_ =	shalt  }
0x54: {  	_ =	shalt  }
0x55: {  	_ =	shalt  }
0x56: {  	_ =	shalt  }
0x57: {  	_ =	shalt  }
0x58: {  	_ =	shalt  }
0x59: {  	_ =	shalt  }
0x5a: {  	_ =	shalt  }
0x5b: {  	_ =	shalt  }
0x5c: {  	_ =	shalt  }
0x5d: {  	_ =	shalt  }
0x5e: {  	_ =	shalt  }
0x5f: {  	_ =	shalt  }
0x60: {  	_ =	shalt  }
0x61: {  	_ =	shalt  }
0x62: {  	_ =	shalt  }
0x63: {  	_ =	shalt  }
0x64: {  	_ =	shalt  }
0x65: {  	_ =	shalt  }
0x66: {  	_ =	shalt  }
0x67: {  	_ =	shalt  }
0x68: {  	_ =	shalt  }
0x69: {  	_ =	shalt  }
0x6a: {  	_ =	shalt  }
0x6b: {  	_ =	shalt  }
0x6c: {  	_ =	shalt  }
0x6d: {  	_ =	shalt  }
0x6e: {  	_ =	shalt  }
0x6f: {  	_ =	shalt  }
0x70: {  	_ =	shalt  }
0x71: {  	_ =	shalt  }
0x72: {  	_ =	shalt  }
0x73: {  	_ =	shalt  }
0x74: {  	_ =	shalt  }
0x75: {  	_ =	shalt  }
0x76: {  	_ =	shalt  }
0x77: {  	_ =	shalt  }
0x78: {  	_ =	shalt  }
0x79: {  	_ =	shalt  }
0x7a: {  	_ =	shalt  }
0x7b: {  	_ =	shalt  }
0x7c: {  	_ =	shalt  }
0x7d: {  	_ =	shalt  }
0x7e: {  	_ =	shalt  }
0x7f: {  	_ =	shalt  }
0x80: {  	_ =	shalt  }
0x81: {  	_ =	shalt  }
0x82: {  	_ =	shalt  }
0x83: {  	_ =	shalt  }
0x84: {  	_ =	shalt  }
0x85: {  	_ =	shalt  }
0x86: {  	_ =	shalt  }
0x87: {  	_ =	shalt  }
.Lfunc_end0:
.L_simem_size_0:
called_computation.1_lowered:
.L_overlay_start_0:
0x88: {  	s0 =	sld [smem:$0x3FD9]  }
0x89: {  	s1 =	sld [smem:$0x3FFE];
	_ =	sdelay $0x3  }
0x8a: {  	s0 =	sadd.s32 s1, s0  }
0x8b: {  	[smem:$0x3FC6] =	sst s0  }
0x8c: {  	_ = 	snop  }
0x8d: {  	s0 =	sld [smem:$0x3FC8]  }
0x8e: {  	s16 =	sld [smem:$0x3FD0];
	(tm) =	ssettm $0x1  }
0x8f: {  	s2 =	sld [smem:$0x3FFB];
	_ =	sdelay $0x3  }
0x90: {  	_ =	strace s2  }
0x91: {  	s2 =	sld [smem:$0x3FFC];
	_ =	sdelay $0x3  }
0x92: {  	_ =	strace s2  }
0x93: {  	s2 =	sld [smem:$0x3FFD];
	_ =	sdelay $0x3  }
0x94: {  	_ =	strace s2  }
0x95: {  	_ =	strace $0x8FFFFFFF  }
0x96: {  	s17 =	sld [smem:$0x3FDB];
	_ =	sdelay $0x1  }
0x97: {  	s3 =	simm.s32 $_scs_section_size  }
0x98: {  	s4 =	simm.s32 $_size__tile_overlayer_lowered;
	s5 =	simm.s32 $_tile_overlayer_lowered  }
0x99: {  	s20 =	simm.s32 $0x1BFF;
	s19 =	sshll.u32 s5, $0x1;
	s2 =	sadd.s32 s3, s17  }
0x9a: {  	s6 =	simm.s32 $0x0;
	s18 =	sshll.u32 s4, $0x1;
	s4 =	sadd.s32 s19, s2  }
0x9b: {  	[timem:s6], [sflag:s20] =	dma.local [hbm:s4], s18  }
0x9c: {  	_ =	swait.ge [sflag:s20], s18  }
0x9d: {  	s3 =	ssub.s32 $0x0, s18;
	[sflag:s20] =	ssyncset.done $0x0  }
0x9e: {  	[sflag:s20] =	ssyncadd.s32 s3;
	_ =	sdelay $0x1  }
0x9f: {  	s21 =	simm.s32 $0x1B8B  }
0xa0: {  	_ =	swait.ge [sflag:s21], $0x1  }
0xa1: {  	[sflag:s21] =	ssyncset.done $0x0  }
0xa2: {  	s23 =	simm.s32 $0x1B8E;
	s22 =	sld [smem:$0x3FFE];
	[sflag:s21] =	ssyncadd.s32 $0xFFFFFFFF  }
0xa3: {  	s24 =	simm.s32 $execute0_lowered;
	[smem:$0x3FD2] =	sst s23  }
0xa4: {  	s4 =	sshll.u32 s24, $0x1;
	_ =	strace $0x80000046;
	[dreg:$0x1] =	wrdreg $0xFFFFFFFF  }
0xa5: {  	s25 =	simm.s32 $_size_execute0_lowered;
	s2 =	sadd.s32 s2, s4;
	[dreg:$0x0] =	wrdreg $0x0  }
0xa6: {  	s4 =	sshll.u32 s25, $0x1;
	[dreg:$0x2] =	wrdreg s2  }
0xa7: {  	[dreg:$0x3] =	wrdreg s4  }
0xa8: {  	[dreg:$0x4] =	wrdreg $0xC0  }
0xa9: {  	_ =	task [dreg:s6], $0x5FFFF  }
0xaa: {  	[dreg:$0x1] =	wrdreg $0xFFFFFFFF  }
0xab: {  	[dreg:$0x0] =	wrdreg $0x60  }
0xac: {  	[dreg:$0x2] =	wrdreg s0  }
0xad: {  	[dreg:$0x3] =	wrdreg s16  }
0xae: {  	[dreg:$0x4] =	wrdreg s22  }
0xaf: {  	[dreg:$0x5] =	wrdreg $0xA  }
0xb0: {  	_ =	task.clear_ibuf [dreg:s6], $0x6FFFF;
	_ =	strace $0x90000046  }
0xb1: {  	s26 =	simm.s32 $0xA;
	_ =	strace $0x80000048  }
0xb2: {  	_ =	swait.ge [sflag:s26], $0x1  }
0xb3: {  	[sflag:s26] =	ssyncadd.s32 $0xFFFFFFFF  }
0xb4: {  	_ =	strace $0x90000048  }
0xb5: {  	_ =	sfence  }
0xb6: {  	s28 =	sld [smem:$0x0];
	_ =	sdelay $0x1  }
0xb7: {  	s29 =	srdreg.scid  }
0xb8: {  	s30 =	sshll.u32 s29, $0xD;
	s31 =	sshrl.u32 s29, $0x2  }
0xb9: {  	s1 =	sand.u32 $0x1, s29;
	s2 =	sand.u32 $0x4000, s30;
	s0 =	sadd.s32 s31, s28  }
0xba: {  	s1 =	sor.u32 s2, s1;
	s0 =	sshll.u32 s0, $0x11  }
0xbb: {  	s0 =	sor.u32 s0, s1  }
0xbc: {  	s0 =	sadd.s32 $0x8F2B, s0  }
0xbd: {  	[sflag:s0] =	ssyncadd.remote.s32 $0x1  }
0xbe: {  	_ =	sfence.sel $0xFFFF  }
0xbf: {  	[dreg:$0x0] =	wrdreg $0xFFFFFFFF;
	(pc) =	sbr.abs _section_cstart, $3  }
0xc0: {  	[dreg:$0x1] =	wrdreg $0xFFFFFFFF  }
0xc1: {  	_ =	task.clear_ibuf [dreg:s6], $0x2FFFF;
	_ =	strace $0x9FFFFFFF  }
0xc2: {  	(tm) =	ssettm $0x7FFFFFFF  }
0xc3: {  	_ =	shalt  }
tec
execute0_lowered:
.L_overlay_start_1:
0x0: {  	(tag) =	ssettag $0x1  }
0x1: {  	s2 =	rddreg [dreg:$0x0]  }
0x2: {  	s3 =	rddreg [dreg:$0x1]  }
0x3: {  	s4 =	rddreg [dreg:$0x2];
	s1 =	stileid.u32  }
0x4: {  	s0 =	rddreg [dreg:$0x3];
	_ =	strace $0x80000047;
	s6 =	simm.s32 $0x1  }
0x5: {  	s8 =	simm.s32 $0x2;
	s30 =	simm.s32 $0x3;
	s5 =	sshll.u32 s1, $0x4  }
0x6: {  	s12 =	simm.s32 $0x0;
	s9 =	simm.s32 $0x0;
	s7 =	ssub.s32 $0x1380, s5  }
0x7: {  	s10 =	simm.s32 $0x0;
	[sflag:s6] =	ssyncpa.u1 $0x0;
	s6 =	sshrl.u32 s7, $0x8  }
0x8: {  	[sflag:s8] =	ssyncpa.u1 $0x0;
	s11 =	smov.u32 s5;
	s31 =	sshll.u32 s6, $0x4  }
0x9: {  	[sflag:s30] =	ssyncpa.u1 $0x0;
	s7 =	sadd.s32 $0x2, s6;
	s8 =	sadd.s32 $0x30, s31  }
.LBB2_1:
0xa: {  	p0 =	sgt.u32 s10, s6  }
0xb: {  	s13 =	sxor.u32 @!p0 $0xFFFFFFFF, s9;
	s14 =	sshrl.u32 @!p0 s11, $0x3  }
0xc: {  	s15 =	sand.u32 @!p0 $0x7, s11;
	s13 =	sand.u32 @!p0 $0x10, s13;
	s14 =	sadd.s32 @!p0 s3, s14  }
0xd: {  	[tilespmem:s13], [sflag:$0x2] =	stream.linear.gather @!p0 [hbm4b:s14+s15], $0x10, $0x38;
	[tilespmem:$0x40] =	vst v63  }
0xe: {  	p0 =	seq.s32 s9, $0x0  }
0xf: {  	p1 =	sge.u32 @!p0 s10, s7  }
0x10: {  	p0 =	por p1, p0  }
0x11: {  	s13 =	simm.s32 @!p0 $0x2  }
0x12: {  	_ =	swait.ge @!p0 [sflag:s13], $0x10  }
0x13: {  	[sflag:s13] =	ssyncset.done @!p0 $0x0  }
0x14: {  	[sflag:s13] =	ssyncadd.s32 @!p0 $0xFFFFFFF0;
	s13 =	sand.u32 @!p0 $0x10, s9  }
0x15: {  	(ifvalue) =	ssetifvalue @!p0 $0x7FFFFFFF;
	v0 =	vld.msk @!p0 [tilespmem:s13+$0x0 ss:$0x1], $0xffff;
	_ =	sdelay $0x4  }
0x16: {  	vm0 =	vgt.s32 @!p0 v0, $0x0  }
0x17: {  	v0 =	vnsel @!p0 vm0, $0x0, v0  }
0x18: {  	v0 =	vmin.u32 @!p0 v0, $0x1387;
	_ =	sdelay $0x3  }
0x19: {  	s14 =	simm.s32 @!p0 $0x0;
	s13 =	sor.u32 @!p0 $0x20, s13;
	(ifvalue) =	ssetifvalue @!p0 $0x7FFFFFFF;
	vm0 =	vmmov @!p0 $0xffff  }
0x1a: {  	[tilespmem:s13], [sflag:$0x1] =	stream.indirect_vreg.gather @!p0 [hbm4b:s2+s14], $0x1, v0, vm0, $0x4038;
	[tilespmem:$0x40] =	vst v63  }
0x1b: {  	s14 =	simm.s32 @!p0 $0x1  }
0x1c: {  	_ =	swait.ge @!p0 [sflag:s14], $0x10  }
0x1d: {  	s15 =	sshrl.u32 @!p0 s12, $0x3;
	[sflag:s14] =	ssyncset.done @!p0 $0x0  }
0x1e: {  	s12 =	sand.u32 @!p0 $0x7, s12;
	[sflag:s14] =	ssyncadd.s32 @!p0 $0xFFFFFFF0;
	s14 =	sadd.s32 @!p0 s4, s15  }
0x1f: {  	[hbm4b:s14+s12] =	stream.linear.scatter @!p0 [tilespmem:s13], [sflag:$0x3], $0x10, $0x38;
	[tilespmem:$0x40] =	vst v63  }
0x20: {  	s14 =	sadd.s32 $0x100, s11  }
0x21: {  	s9 =	sadd.s32 $0x10, s9;
	p1 =	sgt.s32 s14, $0x1387  }
0x22: {  	s14 =	smov.u32 @p1 s5;
	p1 =	sne.s32 s8, s9  }
.Ltmp0:
0x23: {  	p0 =	slt.u32 s10, $0x2;
	(pc) =	sbr.rel @p1 .LBB2_1-.Ltmp0, $4  }
0x24: {  	s13 =	simm.s32 @!p0 $0x3  }
0x25: {  	_ =	swait.ge @!p0 [sflag:s13], $0x10  }
0x26: {  	s12 =	smov.u32 s11;
	[sflag:s13] =	ssyncset.done @!p0 $0x0  }
0x27: {  	s10 =	sadd.s32 $0x1, s10;
	s11 =	smov.u32 s14;
	[sflag:s13] =	ssyncadd.s32 @!p0 $0xFFFFFFF0  }
0x28: {  	_ =	sfence.sel $0x180000  }
0x29: {  	s2 =	simm.s32 $0x2;
	[bflag:$0x0] =	sbarrier.arrive $0xFFFF  }
0x2a: {  	s30 =	simm.s32 $0x3;
	[sflag:s2] =	ssyncpa.u1 $0x1  }
0x2b: {  	s31 =	simm.s32 $0x1;
	[sflag:s30] =	ssyncpa.u1 $0x1  }
0x2c: {  	[sflag:s31] =	ssyncpa.u1 $0x1  }
0x2d: {  	p0 =	sne.s32 s1, $0x0;
	_ =	strace $0x90000047  }
0x2e: {  	s0 =	sadd.s32 @!p0 $0x100000, s0;
	[bflag:$0x2] =	sbarrier.arrive $0xFFFF  }
0x2f: {  	[sflag:s0] =	ssyncadd.tile.s32 @!p0 $0x1;
	_ =	shalt  }
.Lfunc_end2:
_tile_overlayer_lowered:
.L_overlay_start_2:
0x30: {  	(tag) =	ssettag $0x2  }
0x31: {  	s0 =	rddreg [dreg:$0x0];
	s2 =	stileid.u32  }
0x32: {  	s1 =	rddreg [dreg:$0x1];
	p0 =	sne.s32 s2, $0x0  }
0x33: {  	s3 =	rddreg [dreg:$0x2];
	[bflag:$0x3] =	sbarrier.arrive $0xFFFF;
	s2 =	simm.s32 @!p0 $0x1C01  }
0x34: {  	[timem:s3], [sflag:s2] =	dma.local @!p0 [hbm:s0], s1  }
0x35: {  	s0 =	simm.s32 @!p0 $0x1  }
0x36: {  	_ =	swait.ge @!p0 [sflag:s0], s1  }
0x37: {  	s1 =	ssub.s32 @!p0 $0x0, s1;
	[sflag:s0] =	ssyncset.done @!p0 $0x0  }
0x38: {  	[sflag:s0] =	ssyncadd.s32 @!p0 s1  }
0x39: {  	[bflag:$0x3] =	sbarrier.arrive $0xFFFF  }
0x3a: {  	_ =	shalt  }

// kernel: gather_offload_async_start.2
scs
__scs_entry_jumppad:
0x0: {  	(pc) =	sbr.rel $0x88, $3  }
0x1: {  	(tag) =	ssettag $0x0;
	lr =	simm.s32 $0x1  }
0x2: {  	[smem:$0x3F9F] =	sst lr;
	_ =	strace $0xD0000000  }
0x3: {  	_ = 	snop  }
0x4: {  	_ = 	snop  }
0x5: {  	_ = 	snop  }
0x6: {  	_ = 	snop  }
0x7: {  	_ = 	snop  }
__scs_overlays_trampoline_lowered:
0x8: {  	[smem:$0x3FAE] =	sst s0  }
0x9: {  	[smem:$0x3FAF] =	sst s1  }
0xa: {  	[smem:$0x3FB0] =	sst s2  }
0xb: {  	[smem:$0x3FB1] =	sst s3  }
0xc: {  	[smem:$0x3FB2] =	sst s4  }
0xd: {  	[smem:$0x3FB3] =	sst s5  }
0xe: {  	[smem:$0x3FB4] =	sst s6  }
0xf: {  	[smem:$0x3FB5] =	sst s7  }
0x10: {  	[smem:$0x3FB6] =	sst s8  }
0x11: {  	[smem:$0x3FB7] =	sst s9;
	s0 =	simm.s32 @!p0 $0x0  }
0x12: {  	s1 =	sld [smem:$0x3F9D];
	s0 =	simm.s32 @p0 $0x1  }
0x13: {  	[smem:$0x3FB8] =	sst s0;
	s0 =	simm.s32 @!p1 $0x0  }
0x14: {  	s2 =	sld [smem:$0x3F9C];
	s0 =	simm.s32 @p1 $0x1  }
0x15: {  	[smem:$0x3FB9] =	sst s0;
	s0 =	simm.s32 @!p2 $0x0  }
0x16: {  	s3 =	sld [smem:$0x3FDB];
	s0 =	simm.s32 @p2 $0x1  }
0x17: {  	s4 =	simm.s32 $0x1BF5;
	[smem:$0x3FBB] =	sst s0  }
0x18: {  	s0 =	sld [smem:$0x3F9E];
	_ =	swait.ge [sflag:s4], $0x0  }
0x19: {  	s7 =	sld [smem:$0x3F9F]  }
0x1a: {  	s8 =	sadd.s32 $0xFFFFE003, lr  }
0x1b: {  	s9 =	sadd.s32 $0xFFFFFEF7, lr;
	s5 =	simm.s32 $0xFFFFFFFF;
	p2 =	slt.u32 s8, $0xFFFFF086  }
0x1c: {  	p1 =	slt.u32 s9, $0xF7A;
	s5 =	simm.s32 @!p2 $0x0  }
0x1d: {  	s5 =	simm.s32 @p1 $0x1;
	p0 =	seq.s32 s7, s2  }
0x1e: {  	s7 =	smul.u32 @!p0 $0xF7A, s2;
	p2 =	seq.s32 @!p0 s5, $0x0  }
0x1f: {  	s9 =	smul.u32 $0xF7A, s1;
	s8 =	simm.s32 @!p0 $0x1BF5;
	p2 =	por !p2, p0  }
0x20: {  	[sflag:s8] =	ssyncset.s32 @!p0 $0xFFFFF086;
	s6 =	sadd.s32 @!p0 s3, s7;
	s7 =	simm.s32 @!p0 $0x108  }
0x21: {  	s3 =	sadd.s32 s3, s9;
	s6 =	sadd.s32 @!p0 $0x88, s6;
	s7 =	simm.s32 @p2 $0x1082  }
0x22: {  	[simem:s7], [sflag:s8] =	dma.local @!p0 [hbm:s6], $0xF7A  }
0x23: {  	s9 =	sor.u32 $0xD0000000, s2;
	s6 =	simm.s32 $0x108;
	_ =	swait.ge @!p0 [sflag:s8], $0x0  }
0x24: {  	s3 =	sadd.s32 $0x88, s3;
	s6 =	simm.s32 @!p1 $0x1082;
	[sflag:s4] =	ssyncset.s32 $0xFFFFF086  }
0x25: {  	[simem:s6], [sflag:s4] =	dma.local [hbm:s3], $0xF7A  }
0x26: {  	[smem:$0x3F9F] =	sst s1;
	(tag) =	ssettag s2;
	_ =	strace s9  }
0x27: {  	s1 =	sld [smem:$0x3FAF]  }
0x28: {  	s2 =	sld [smem:$0x3FB0]  }
0x29: {  	s4 =	sld [smem:$0x3FB2]  }
0x2a: {  	p0 =	seq.s32 s5, $0x0;
	s5 =	sld [smem:$0x3FB3]  }
0x2b: {  	s6 =	sld [smem:$0x3FB4]  }
0x2c: {  	s7 =	sld [smem:$0x3FB5]  }
0x2d: {  	s3 =	simm.s32 $0x108;
	s8 =	sld [smem:$0x3FB6]  }
0x2e: {  	s3 =	simm.s32 @!p0 $0x1082;
	s9 =	sld [smem:$0x3FB7]  }
0x2f: {  	lr =	sadd.s32 s0, s3;
	s0 =	sld [smem:$0x3FAE]  }
0x30: {  	s3 =	sld [smem:$0x3FB1]  }
0x31: {  	[smem:$0x3FBA] =	sst s10  }
0x32: {  	s10 =	sld [smem:$0x3FB8];
	_ =	sdelay $0x3  }
0x33: {  	p0 =	seq.s32 s10, $0x1;
	s10 =	sld [smem:$0x3FBA];
	_ =	sdelay $0x3  }
0x34: {  	[smem:$0x3FBA] =	sst s10  }
0x35: {  	s10 =	sld [smem:$0x3FB9];
	_ =	sdelay $0x3  }
0x36: {  	p1 =	seq.s32 s10, $0x1;
	s10 =	sld [smem:$0x3FBA];
	_ =	sdelay $0x3  }
0x37: {  	[smem:$0x3FBA] =	sst s10  }
0x38: {  	s10 =	sld [smem:$0x3FBB]  }
0x39: {  	_ = 	snop;
	(pc) =	sbr.ind lr, $3  }
0x3a: {  	_ = 	snop  }
0x3b: {  	_ = 	snop  }
0x3c: {  	p2 =	seq.s32 s10, $0x1;
	s10 =	sld [smem:$0x3FBA]  }
0x3d: {  	_ =	shalt  }
0x3e: {  	_ =	shalt  }
0x3f: {  	_ =	shalt  }
0x40: {  	_ =	shalt  }
0x41: {  	_ =	shalt  }
0x42: {  	_ =	shalt  }
0x43: {  	_ =	shalt  }
0x44: {  	_ =	shalt  }
0x45: {  	_ =	shalt  }
0x46: {  	_ =	shalt  }
0x47: {  	_ =	shalt  }
0x48: {  	_ =	shalt  }
0x49: {  	_ =	shalt  }
0x4a: {  	_ =	shalt  }
0x4b: {  	_ =	shalt  }
0x4c: {  	_ =	shalt  }
0x4d: {  	_ =	shalt  }
0x4e: {  	_ =	shalt  }
0x4f: {  	_ =	shalt  }
0x50: {  	_ =	shalt  }
0x51: {  	_ =	shalt  }
0x52: {  	_ =	shalt  }
0x53: {  	_ =	shalt  }
0x54: {  	_ =	shalt  }
0x55: {  	_ =	shalt  }
0x56: {  	_ =	shalt  }
0x57: {  	_ =	shalt  }
0x58: {  	_ =	shalt  }
0x59: {  	_ =	shalt  }
0x5a: {  	_ =	shalt  }
0x5b: {  	_ =	shalt  }
0x5c: {  	_ =	shalt  }
0x5d: {  	_ =	shalt  }
0x5e: {  	_ =	shalt  }
0x5f: {  	_ =	shalt  }
0x60: {  	_ =	shalt  }
0x61: {  	_ =	shalt  }
0x62: {  	_ =	shalt  }
0x63: {  	_ =	shalt  }
0x64: {  	_ =	shalt  }
0x65: {  	_ =	shalt  }
0x66: {  	_ =	shalt  }
0x67: {  	_ =	shalt  }
0x68: {  	_ =	shalt  }
0x69: {  	_ =	shalt  }
0x6a: {  	_ =	shalt  }
0x6b: {  	_ =	shalt  }
0x6c: {  	_ =	shalt  }
0x6d: {  	_ =	shalt  }
0x6e: {  	_ =	shalt  }
0x6f: {  	_ =	shalt  }
0x70: {  	_ =	shalt  }
0x71: {  	_ =	shalt  }
0x72: {  	_ =	shalt  }
0x73: {  	_ =	shalt  }
0x74: {  	_ =	shalt  }
0x75: {  	_ =	shalt  }
0x76: {  	_ =	shalt  }
0x77: {  	_ =	shalt  }
0x78: {  	_ =	shalt  }
0x79: {  	_ =	shalt  }
0x7a: {  	_ =	shalt  }
0x7b: {  	_ =	shalt  }
0x7c: {  	_ =	shalt  }
0x7d: {  	_ =	shalt  }
0x7e: {  	_ =	shalt  }
0x7f: {  	_ =	shalt  }
0x80: {  	_ =	shalt  }
0x81: {  	_ =	shalt  }
0x82: {  	_ =	shalt  }
0x83: {  	_ =	shalt  }
0x84: {  	_ =	shalt  }
0x85: {  	_ =	shalt  }
0x86: {  	_ =	shalt  }
0x87: {  	_ =	shalt  }
.Lfunc_end0:
.L_simem_size_0:
called_computation.2_lowered:
.L_overlay_start_0:
0x88: {  	s0 =	sld [smem:$0x3FD9]  }
0x89: {  	s1 =	sld [smem:$0x3FFE];
	_ =	sdelay $0x3  }
0x8a: {  	s0 =	sadd.s32 s1, s0  }
0x8b: {  	[smem:$0x3FC6] =	sst s0  }
0x8c: {  	_ = 	snop  }
0x8d: {  	s0 =	sld [smem:$0x3FD0];
	(tm) =	ssettm $0x1  }
0x8e: {  	s16 =	sld [smem:$0x3FFB];
	_ =	sdelay $0x3  }
0x8f: {  	_ =	strace s16  }
0x90: {  	s1 =	sld [smem:$0x3FFC];
	_ =	sdelay $0x3  }
0x91: {  	_ =	strace s1  }
0x92: {  	s1 =	sld [smem:$0x3FFD];
	_ =	sdelay $0x3  }
0x93: {  	_ =	strace s1  }
0x94: {  	_ =	strace $0x8FFFFFFF  }
0x95: {  	s17 =	sld [smem:$0x3FDB];
	_ =	sdelay $0x1  }
0x96: {  	s2 =	simm.s32 $_scs_section_size  }
0x97: {  	s3 =	simm.s32 $_size__tile_overlayer_lowered;
	s4 =	simm.s32 $_tile_overlayer_lowered  }
0x98: {  	s20 =	simm.s32 $0x1BFF;
	s19 =	sshll.u32 s4, $0x1;
	s1 =	sadd.s32 s2, s17  }
0x99: {  	s5 =	simm.s32 $0x0;
	s18 =	sshll.u32 s3, $0x1;
	s3 =	sadd.s32 s19, s1  }
0x9a: {  	[timem:s5], [sflag:s20] =	dma.local [hbm:s3], s18  }
0x9b: {  	_ =	swait.ge [sflag:s20], s18  }
0x9c: {  	s2 =	ssub.s32 $0x0, s18;
	[sflag:s20] =	ssyncset.done $0x0  }
0x9d: {  	[sflag:s20] =	ssyncadd.s32 s2;
	_ =	sdelay $0x1  }
0x9e: {  	s21 =	simm.s32 $0x1B8B  }
0x9f: {  	_ =	swait.ge [sflag:s21], $0x1  }
0xa0: {  	[sflag:s21] =	ssyncset.done $0x0  }
0xa1: {  	s23 =	simm.s32 $0x1B8E;
	s22 =	sld [smem:$0x3FFE];
	[sflag:s21] =	ssyncadd.s32 $0xFFFFFFFF  }
0xa2: {  	s24 =	simm.s32 $execute0_lowered;
	[smem:$0x3FD2] =	sst s23  }
0xa3: {  	s3 =	sshll.u32 s24, $0x1;
	_ =	strace $0x8000004C;
	[dreg:$0x1] =	wrdreg $0xFFFFFFFF  }
0xa4: {  	s25 =	simm.s32 $_size_execute0_lowered;
	s1 =	sadd.s32 s1, s3;
	[dreg:$0x0] =	wrdreg $0x0  }
0xa5: {  	s3 =	sshll.u32 s25, $0x1;
	[dreg:$0x2] =	wrdreg s1  }
0xa6: {  	[dreg:$0x3] =	wrdreg s3  }
0xa7: {  	[dreg:$0x4] =	wrdreg $0xC0  }
0xa8: {  	_ =	task [dreg:s5], $0x5FFFF  }
0xa9: {  	[dreg:$0x1] =	wrdreg $0xFFFFFFFF  }
0xaa: {  	[dreg:$0x0] =	wrdreg $0x60  }
0xab: {  	[dreg:$0x2] =	wrdreg s22  }
0xac: {  	[dreg:$0x3] =	wrdreg s0  }
0xad: {  	[dreg:$0x4] =	wrdreg $0x9  }
0xae: {  	_ =	task.clear_ibuf [dreg:s5], $0x5FFFF;
	_ =	strace $0x9000004C  }
0xaf: {  	s26 =	simm.s32 $0x9;
	_ =	strace $0x8000004E  }
0xb0: {  	_ =	swait.ge [sflag:s26], $0x1  }
0xb1: {  	[sflag:s26] =	ssyncadd.s32 $0xFFFFFFFF  }
0xb2: {  	_ =	strace $0x9000004E  }
0xb3: {  	_ =	sfence  }
0xb4: {  	s28 =	sld [smem:$0x0];
	_ =	sdelay $0x1  }
0xb5: {  	s29 =	srdreg.scid  }
0xb6: {  	s30 =	sshll.u32 s29, $0xD;
	s31 =	sshrl.u32 s29, $0x2  }
0xb7: {  	s2 =	sand.u32 $0x4000, s30;
	s1 =	sand.u32 $0x1, s29;
	s0 =	sadd.s32 s31, s28  }
0xb8: {  	s1 =	sor.u32 s2, s1;
	s0 =	sshll.u32 s0, $0x11  }
0xb9: {  	s0 =	sor.u32 s0, s1  }
0xba: {  	s0 =	sadd.s32 $0x8F2B, s0  }
0xbb: {  	[sflag:s0] =	ssyncadd.remote.s32 $0x1  }
0xbc: {  	_ =	sfence.sel $0xFFFF  }
0xbd: {  	[dreg:$0x0] =	wrdreg $0xFFFFFFFF;
	(pc) =	sbr.abs _section_cstart, $3  }
0xbe: {  	[dreg:$0x1] =	wrdreg $0xFFFFFFFF  }
0xbf: {  	_ =	task.clear_ibuf [dreg:s5], $0x2FFFF;
	_ =	strace $0x9FFFFFFF  }
0xc0: {  	(tm) =	ssettm $0x7FFFFFFF  }
0xc1: {  	_ =	shalt  }
tec
execute0_lowered:
.L_overlay_start_1:
0x0: {  	(tag) =	ssettag $0x1  }
0x1: {  	s2 =	rddreg [dreg:$0x0]  }
0x2: {  	s3 =	rddreg [dreg:$0x1]  }
0x3: {  	s0 =	rddreg [dreg:$0x2];
	s1 =	stileid.u32  }
0x4: {  	_ =	strace $0x8000004D;
	s6 =	simm.s32 $0x1;
	s8 =	simm.s32 $0x2  }
0x5: {  	s30 =	simm.s32 $0x3;
	s12 =	simm.s32 $0x0;
	s4 =	sshll.u32 s1, $0x4  }
0x6: {  	s9 =	simm.s32 $0x0;
	s10 =	simm.s32 $0x0;
	s7 =	ssub.s32 $0x1380, s4  }
0x7: {  	s5 =	sadd.s32 $0x27800, s2;
	[sflag:s6] =	ssyncpa.u1 $0x0;
	s6 =	sshrl.u32 s7, $0x8  }
0x8: {  	[sflag:s8] =	ssyncpa.u1 $0x0;
	s11 =	smov.u32 s4;
	s31 =	sshll.u32 s6, $0x4  }
0x9: {  	[sflag:s30] =	ssyncpa.u1 $0x0;
	s7 =	sadd.s32 $0x2, s6;
	s8 =	sadd.s32 $0x30, s31  }
.LBB2_1:
0xa: {  	p0 =	sgt.u32 s10, s6  }
0xb: {  	s13 =	sxor.u32 @!p0 $0xFFFFFFFF, s9;
	s14 =	sshrl.u32 @!p0 s11, $0x3  }
0xc: {  	s15 =	sand.u32 @!p0 $0x7, s11;
	s13 =	sand.u32 @!p0 $0x10, s13;
	s14 =	sadd.s32 @!p0 s5, s14  }
0xd: {  	[tilespmem:s13], [sflag:$0x2] =	stream.linear.gather @!p0 [hbm4b:s14+s15], $0x10, $0x38;
	[tilespmem:$0x40] =	vst v63  }
0xe: {  	p0 =	seq.s32 s9, $0x0  }
0xf: {  	p1 =	sge.u32 @!p0 s10, s7  }
0x10: {  	p0 =	por p1, p0  }
0x11: {  	s13 =	simm.s32 @!p0 $0x2  }
0x12: {  	_ =	swait.ge @!p0 [sflag:s13], $0x10  }
0x13: {  	[sflag:s13] =	ssyncset.done @!p0 $0x0  }
0x14: {  	[sflag:s13] =	ssyncadd.s32 @!p0 $0xFFFFFFF0;
	s13 =	sand.u32 @!p0 $0x10, s9  }
0x15: {  	(ifvalue) =	ssetifvalue @!p0 $0x7FFFFFFF;
	v0 =	vld.msk @!p0 [tilespmem:s13+$0x0 ss:$0x1], $0xffff;
	_ =	sdelay $0x4  }
0x16: {  	vm0 =	vgt.s32 @!p0 v0, $0x0  }
0x17: {  	v0 =	vnsel @!p0 vm0, $0x0, v0  }
0x18: {  	v0 =	vmin.u32 @!p0 v0, $0x1387;
	_ =	sdelay $0x3  }
0x19: {  	s14 =	simm.s32 @!p0 $0x0;
	s13 =	sor.u32 @!p0 $0x20, s13;
	(ifvalue) =	ssetifvalue @!p0 $0x7FFFFFFF;
	vm0 =	vmmov @!p0 $0xffff  }
0x1a: {  	[tilespmem:s13], [sflag:$0x1] =	stream.indirect_vreg.gather @!p0 [hbm4b:s2+s14], $0x1, v0, vm0, $0x4038;
	[tilespmem:$0x40] =	vst v63  }
0x1b: {  	s14 =	simm.s32 @!p0 $0x1  }
0x1c: {  	_ =	swait.ge @!p0 [sflag:s14], $0x10  }
0x1d: {  	s15 =	sshrl.u32 @!p0 s12, $0x3;
	[sflag:s14] =	ssyncset.done @!p0 $0x0  }
0x1e: {  	s12 =	sand.u32 @!p0 $0x7, s12;
	[sflag:s14] =	ssyncadd.s32 @!p0 $0xFFFFFFF0;
	s14 =	sadd.s32 @!p0 s3, s15  }
0x1f: {  	[hbm4b:s14+s12] =	stream.linear.scatter @!p0 [tilespmem:s13], [sflag:$0x3], $0x10, $0x38;
	[tilespmem:$0x40] =	vst v63  }
0x20: {  	s14 =	sadd.s32 $0x100, s11  }
0x21: {  	s9 =	sadd.s32 $0x10, s9;
	p1 =	sgt.s32 s14, $0x1387  }
0x22: {  	s14 =	smov.u32 @p1 s4;
	p1 =	sne.s32 s8, s9  }
.Ltmp0:
0x23: {  	p0 =	slt.u32 s10, $0x2;
	(pc) =	sbr.rel @p1 .LBB2_1-.Ltmp0, $4  }
0x24: {  	s13 =	simm.s32 @!p0 $0x3  }
0x25: {  	_ =	swait.ge @!p0 [sflag:s13], $0x10  }
0x26: {  	s12 =	smov.u32 s11;
	[sflag:s13] =	ssyncset.done @!p0 $0x0  }
0x27: {  	s10 =	sadd.s32 $0x1, s10;
	s11 =	smov.u32 s14;
	[sflag:s13] =	ssyncadd.s32 @!p0 $0xFFFFFFF0  }
0x28: {  	_ =	sfence.sel $0x180000  }
0x29: {  	s2 =	simm.s32 $0x2;
	[bflag:$0x0] =	sbarrier.arrive $0xFFFF  }
0x2a: {  	s30 =	simm.s32 $0x3;
	[sflag:s2] =	ssyncpa.u1 $0x1  }
0x2b: {  	s31 =	simm.s32 $0x1;
	[sflag:s30] =	ssyncpa.u1 $0x1  }
0x2c: {  	[sflag:s31] =	ssyncpa.u1 $0x1  }
0x2d: {  	p0 =	sne.s32 s1, $0x0;
	_ =	strace $0x9000004D  }
0x2e: {  	s0 =	sadd.s32 @!p0 $0x100000, s0;
	[bflag:$0x2] =	sbarrier.arrive $0xFFFF  }
0x2f: {  	[sflag:s0] =	ssyncadd.tile.s32 @!p0 $0x1;
	_ =	shalt  }
.Lfunc_end2:
_tile_overlayer_lowered:
.L_overlay_start_2:
0x30: {  	(tag) =	ssettag $0x2  }
0x31: {  	s0 =	rddreg [dreg:$0x0];
	s2 =	stileid.u32  }
0x32: {  	s1 =	rddreg [dreg:$0x1];
	p0 =	sne.s32 s2, $0x0  }
0x33: {  	s3 =	rddreg [dreg:$0x2];
	[bflag:$0x3] =	sbarrier.arrive $0xFFFF;
	s2 =	simm.s32 @!p0 $0x1C01  }
0x34: {  	[timem:s3], [sflag:s2] =	dma.local @!p0 [hbm:s0], s1  }
0x35: {  	s0 =	simm.s32 @!p0 $0x1  }
0x36: {  	_ =	swait.ge @!p0 [sflag:s0], s1  }
0x37: {  	s1 =	ssub.s32 @!p0 $0x0, s1;
	[sflag:s0] =	ssyncset.done @!p0 $0x0  }
0x38: {  	[sflag:s0] =	ssyncadd.s32 @!p0 s1  }
0x39: {  	[bflag:$0x3] =	sbarrier.arrive $0xFFFF  }
0x3a: {  	_ =	shalt  }

// kernel: gather_offload_async_start
scs
__scs_entry_jumppad:
0x0: {  	(pc) =	sbr.rel $0x88, $3  }
0x1: {  	(tag) =	ssettag $0x0;
	lr =	simm.s32 $0x1  }
0x2: {  	[smem:$0x3F9F] =	sst lr;
	_ =	strace $0xD0000000  }
0x3: {  	_ = 	snop  }
0x4: {  	_ = 	snop  }
0x5: {  	_ = 	snop  }
0x6: {  	_ = 	snop  }
0x7: {  	_ = 	snop  }
__scs_overlays_trampoline_lowered:
0x8: {  	[smem:$0x3FAE] =	sst s0  }
0x9: {  	[smem:$0x3FAF] =	sst s1  }
0xa: {  	[smem:$0x3FB0] =	sst s2  }
0xb: {  	[smem:$0x3FB1] =	sst s3  }
0xc: {  	[smem:$0x3FB2] =	sst s4  }
0xd: {  	[smem:$0x3FB3] =	sst s5  }
0xe: {  	[smem:$0x3FB4] =	sst s6  }
0xf: {  	[smem:$0x3FB5] =	sst s7  }
0x10: {  	[smem:$0x3FB6] =	sst s8  }
0x11: {  	[smem:$0x3FB7] =	sst s9;
	s0 =	simm.s32 @!p0 $0x0  }
0x12: {  	s1 =	sld [smem:$0x3F9D];
	s0 =	simm.s32 @p0 $0x1  }
0x13: {  	[smem:$0x3FB8] =	sst s0;
	s0 =	simm.s32 @!p1 $0x0  }
0x14: {  	s2 =	sld [smem:$0x3F9C];
	s0 =	simm.s32 @p1 $0x1  }
0x15: {  	[smem:$0x3FB9] =	sst s0;
	s0 =	simm.s32 @!p2 $0x0  }
0x16: {  	s3 =	sld [smem:$0x3FDB];
	s0 =	simm.s32 @p2 $0x1  }
0x17: {  	s4 =	simm.s32 $0x1BF5;
	[smem:$0x3FBB] =	sst s0  }
0x18: {  	s0 =	sld [smem:$0x3F9E];
	_ =	swait.ge [sflag:s4], $0x0  }
0x19: {  	s7 =	sld [smem:$0x3F9F]  }
0x1a: {  	s8 =	sadd.s32 $0xFFFFE003, lr  }
0x1b: {  	s9 =	sadd.s32 $0xFFFFFEF7, lr;
	s5 =	simm.s32 $0xFFFFFFFF;
	p2 =	slt.u32 s8, $0xFFFFF086  }
0x1c: {  	p1 =	slt.u32 s9, $0xF7A;
	s5 =	simm.s32 @!p2 $0x0  }
0x1d: {  	s5 =	simm.s32 @p1 $0x1;
	p0 =	seq.s32 s7, s2  }
0x1e: {  	s7 =	smul.u32 @!p0 $0xF7A, s2;
	p2 =	seq.s32 @!p0 s5, $0x0  }
0x1f: {  	s9 =	smul.u32 $0xF7A, s1;
	s8 =	simm.s32 @!p0 $0x1BF5;
	p2 =	por !p2, p0  }
0x20: {  	[sflag:s8] =	ssyncset.s32 @!p0 $0xFFFFF086;
	s6 =	sadd.s32 @!p0 s3, s7;
	s7 =	simm.s32 @!p0 $0x108  }
0x21: {  	s3 =	sadd.s32 s3, s9;
	s6 =	sadd.s32 @!p0 $0x88, s6;
	s7 =	simm.s32 @p2 $0x1082  }
0x22: {  	[simem:s7], [sflag:s8] =	dma.local @!p0 [hbm:s6], $0xF7A  }
0x23: {  	s9 =	sor.u32 $0xD0000000, s2;
	s6 =	simm.s32 $0x108;
	_ =	swait.ge @!p0 [sflag:s8], $0x0  }
0x24: {  	s3 =	sadd.s32 $0x88, s3;
	s6 =	simm.s32 @!p1 $0x1082;
	[sflag:s4] =	ssyncset.s32 $0xFFFFF086  }
0x25: {  	[simem:s6], [sflag:s4] =	dma.local [hbm:s3], $0xF7A  }
0x26: {  	[smem:$0x3F9F] =	sst s1;
	(tag) =	ssettag s2;
	_ =	strace s9  }
0x27: {  	s1 =	sld [smem:$0x3FAF]  }
0x28: {  	s2 =	sld [smem:$0x3FB0]  }
0x29: {  	s4 =	sld [smem:$0x3FB2]  }
0x2a: {  	p0 =	seq.s32 s5, $0x0;
	s5 =	sld [smem:$0x3FB3]  }
0x2b: {  	s6 =	sld [smem:$0x3FB4]  }
0x2c: {  	s7 =	sld [smem:$0x3FB5]  }
0x2d: {  	s3 =	simm.s32 $0x108;
	s8 =	sld [smem:$0x3FB6]  }
0x2e: {  	s3 =	simm.s32 @!p0 $0x1082;
	s9 =	sld [smem:$0x3FB7]  }
0x2f: {  	lr =	sadd.s32 s0, s3;
	s0 =	sld [smem:$0x3FAE]  }
0x30: {  	s3 =	sld [smem:$0x3FB1]  }
0x31: {  	[smem:$0x3FBA] =	sst s10  }
0x32: {  	s10 =	sld [smem:$0x3FB8];
	_ =	sdelay $0x3  }
0x33: {  	p0 =	seq.s32 s10, $0x1;
	s10 =	sld [smem:$0x3FBA];
	_ =	sdelay $0x3  }
0x34: {  	[smem:$0x3FBA] =	sst s10  }
0x35: {  	s10 =	sld [smem:$0x3FB9];
	_ =	sdelay $0x3  }
0x36: {  	p1 =	seq.s32 s10, $0x1;
	s10 =	sld [smem:$0x3FBA];
	_ =	sdelay $0x3  }
0x37: {  	[smem:$0x3FBA] =	sst s10  }
0x38: {  	s10 =	sld [smem:$0x3FBB]  }
0x39: {  	_ = 	snop;
	(pc) =	sbr.ind lr, $3  }
0x3a: {  	_ = 	snop  }
0x3b: {  	_ = 	snop  }
0x3c: {  	p2 =	seq.s32 s10, $0x1;
	s10 =	sld [smem:$0x3FBA]  }
0x3d: {  	_ =	shalt  }
0x3e: {  	_ =	shalt  }
0x3f: {  	_ =	shalt  }
0x40: {  	_ =	shalt  }
0x41: {  	_ =	shalt  }
0x42: {  	_ =	shalt  }
0x43: {  	_ =	shalt  }
0x44: {  	_ =	shalt  }
0x45: {  	_ =	shalt  }
0x46: {  	_ =	shalt  }
0x47: {  	_ =	shalt  }
0x48: {  	_ =	shalt  }
0x49: {  	_ =	shalt  }
0x4a: {  	_ =	shalt  }
0x4b: {  	_ =	shalt  }
0x4c: {  	_ =	shalt  }
0x4d: {  	_ =	shalt  }
0x4e: {  	_ =	shalt  }
0x4f: {  	_ =	shalt  }
0x50: {  	_ =	shalt  }
0x51: {  	_ =	shalt  }
0x52: {  	_ =	shalt  }
0x53: {  	_ =	shalt  }
0x54: {  	_ =	shalt  }
0x55: {  	_ =	shalt  }
0x56: {  	_ =	shalt  }
0x57: {  	_ =	shalt  }
0x58: {  	_ =	shalt  }
0x59: {  	_ =	shalt  }
0x5a: {  	_ =	shalt  }
0x5b: {  	_ =	shalt  }
0x5c: {  	_ =	shalt  }
0x5d: {  	_ =	shalt  }
0x5e: {  	_ =	shalt  }
0x5f: {  	_ =	shalt  }
0x60: {  	_ =	shalt  }
0x61: {  	_ =	shalt  }
0x62: {  	_ =	shalt  }
0x63: {  	_ =	shalt  }
0x64: {  	_ =	shalt  }
0x65: {  	_ =	shalt  }
0x66: {  	_ =	shalt  }
0x67: {  	_ =	shalt  }
0x68: {  	_ =	shalt  }
0x69: {  	_ =	shalt  }
0x6a: {  	_ =	shalt  }
0x6b: {  	_ =	shalt  }
0x6c: {  	_ =	shalt  }
0x6d: {  	_ =	shalt  }
0x6e: {  	_ =	shalt  }
0x6f: {  	_ =	shalt  }
0x70: {  	_ =	shalt  }
0x71: {  	_ =	shalt  }
0x72: {  	_ =	shalt  }
0x73: {  	_ =	shalt  }
0x74: {  	_ =	shalt  }
0x75: {  	_ =	shalt  }
0x76: {  	_ =	shalt  }
0x77: {  	_ =	shalt  }
0x78: {  	_ =	shalt  }
0x79: {  	_ =	shalt  }
0x7a: {  	_ =	shalt  }
0x7b: {  	_ =	shalt  }
0x7c: {  	_ =	shalt  }
0x7d: {  	_ =	shalt  }
0x7e: {  	_ =	shalt  }
0x7f: {  	_ =	shalt  }
0x80: {  	_ =	shalt  }
0x81: {  	_ =	shalt  }
0x82: {  	_ =	shalt  }
0x83: {  	_ =	shalt  }
0x84: {  	_ =	shalt  }
0x85: {  	_ =	shalt  }
0x86: {  	_ =	shalt  }
0x87: {  	_ =	shalt  }
.Lfunc_end0:
.L_simem_size_0:
called_computation_lowered:
.L_overlay_start_0:
0x88: {  	s0 =	sld [smem:$0x3FD9]  }
0x89: {  	s1 =	sld [smem:$0x3FFE];
	_ =	sdelay $0x3  }
0x8a: {  	s0 =	sadd.s32 s1, s0  }
0x8b: {  	[smem:$0x3FC6] =	sst s0  }
0x8c: {  	_ = 	snop  }
0x8d: {  	s0 =	sld [smem:$0x3FD0];
	(tm) =	ssettm $0x1  }
0x8e: {  	s16 =	sld [smem:$0x3FFB];
	_ =	sdelay $0x3  }
0x8f: {  	_ =	strace s16  }
0x90: {  	s1 =	sld [smem:$0x3FFC];
	_ =	sdelay $0x3  }
0x91: {  	_ =	strace s1  }
0x92: {  	s1 =	sld [smem:$0x3FFD];
	_ =	sdelay $0x3  }
0x93: {  	_ =	strace s1  }
0x94: {  	_ =	strace $0x8FFFFFFF  }
0x95: {  	s17 =	sld [smem:$0x3FDB];
	_ =	sdelay $0x1  }
0x96: {  	s2 =	simm.s32 $_scs_section_size  }
0x97: {  	s3 =	simm.s32 $_size__tile_overlayer_lowered;
	s4 =	simm.s32 $_tile_overlayer_lowered  }
0x98: {  	s20 =	simm.s32 $0x1BFF;
	s19 =	sshll.u32 s4, $0x1;
	s1 =	sadd.s32 s2, s17  }
0x99: {  	s5 =	simm.s32 $0x0;
	s18 =	sshll.u32 s3, $0x1;
	s3 =	sadd.s32 s19, s1  }
0x9a: {  	[timem:s5], [sflag:s20] =	dma.local [hbm:s3], s18  }
0x9b: {  	_ =	swait.ge [sflag:s20], s18  }
0x9c: {  	s2 =	ssub.s32 $0x0, s18;
	[sflag:s20] =	ssyncset.done $0x0  }
0x9d: {  	[sflag:s20] =	ssyncadd.s32 s2;
	_ =	sdelay $0x1  }
0x9e: {  	s21 =	simm.s32 $0x1B8B  }
0x9f: {  	_ =	swait.ge [sflag:s21], $0x1  }
0xa0: {  	[sflag:s21] =	ssyncset.done $0x0  }
0xa1: {  	s23 =	simm.s32 $0x1B8E;
	s22 =	sld [smem:$0x3FFE];
	[sflag:s21] =	ssyncadd.s32 $0xFFFFFFFF  }
0xa2: {  	s24 =	simm.s32 $execute0_lowered;
	[smem:$0x3FD2] =	sst s23  }
0xa3: {  	s3 =	sshll.u32 s24, $0x1;
	_ =	strace $0x80000049;
	[dreg:$0x1] =	wrdreg $0xFFFFFFFF  }
0xa4: {  	s25 =	simm.s32 $_size_execute0_lowered;
	s1 =	sadd.s32 s1, s3;
	[dreg:$0x0] =	wrdreg $0x0  }
0xa5: {  	s3 =	sshll.u32 s25, $0x1;
	[dreg:$0x2] =	wrdreg s1  }
0xa6: {  	[dreg:$0x3] =	wrdreg s3  }
0xa7: {  	[dreg:$0x4] =	wrdreg $0xC0  }
0xa8: {  	_ =	task [dreg:s5], $0x5FFFF  }
0xa9: {  	[dreg:$0x1] =	wrdreg $0xFFFFFFFF  }
0xaa: {  	[dreg:$0x0] =	wrdreg $0x60  }
0xab: {  	[dreg:$0x2] =	wrdreg s22  }
0xac: {  	[dreg:$0x3] =	wrdreg s0  }
0xad: {  	[dreg:$0x4] =	wrdreg $0x9  }
0xae: {  	_ =	task.clear_ibuf [dreg:s5], $0x5FFFF;
	_ =	strace $0x90000049  }
0xaf: {  	s26 =	simm.s32 $0x9;
	_ =	strace $0x8000004B  }
0xb0: {  	_ =	swait.ge [sflag:s26], $0x1  }
0xb1: {  	[sflag:s26] =	ssyncadd.s32 $0xFFFFFFFF  }
0xb2: {  	_ =	strace $0x9000004B  }
0xb3: {  	_ =	sfence  }
0xb4: {  	s28 =	sld [smem:$0x0];
	_ =	sdelay $0x1  }
0xb5: {  	s29 =	srdreg.scid  }
0xb6: {  	s30 =	sshll.u32 s29, $0xD;
	s31 =	sshrl.u32 s29, $0x2  }
0xb7: {  	s2 =	sand.u32 $0x4000, s30;
	s1 =	sand.u32 $0x1, s29;
	s0 =	sadd.s32 s31, s28  }
0xb8: {  	s1 =	sor.u32 s2, s1;
	s0 =	sshll.u32 s0, $0x11  }
0xb9: {  	s0 =	sor.u32 s0, s1  }
0xba: {  	s0 =	sadd.s32 $0x8F2B, s0  }
0xbb: {  	[sflag:s0] =	ssyncadd.remote.s32 $0x1  }
0xbc: {  	_ =	sfence.sel $0xFFFF  }
0xbd: {  	[dreg:$0x0] =	wrdreg $0xFFFFFFFF;
	(pc) =	sbr.abs _section_cstart, $3  }
0xbe: {  	[dreg:$0x1] =	wrdreg $0xFFFFFFFF  }
0xbf: {  	_ =	task.clear_ibuf [dreg:s5], $0x2FFFF;
	_ =	strace $0x9FFFFFFF  }
0xc0: {  	(tm) =	ssettm $0x7FFFFFFF  }
0xc1: {  	_ =	shalt  }
tec
execute0_lowered:
.L_overlay_start_1:
0x0: {  	(tag) =	ssettag $0x1  }
0x1: {  	s0 =	stileid.u32  }
0x2: {  	s1 =	smin.u32 s0, $0x9  }
0x3: {  	s1 =	sadd.s32 s0, s1  }
0x4: {  	s2 =	simm.s32 $0x190;
	p0 =	slt.u32 s0, $0x9;
	s1 =	smul.u32 $0xC8, s1  }
0x5: {  	s2 =	simm.s32 @!p0 $0xC8  }
0x6: {  	s2 =	sadd.s32 s2, s1  }
0x7: {  	s3 =	smin.u32 s2, $0x1388  }
0x8: {  	s7 =	ssub.s32 s3, s1  }
0x9: {  	p0 =	sgt.s32 s7, $0x0  }
0xa: {  	s7 =	simm.s32 @!p0 $0x0  }
0xb: {  	s31 =	sand.u32 $0xFFF8, s7  }
0xc: {  	s2 =	sshrl.u32 s31, $0x3  }
0xd: {  	s9 =	rddreg [dreg:$0x0];
	s2 =	smul.u32 $0x147B, s2  }
0xe: {  	s4 =	rddreg [dreg:$0x1];
	s6 =	simm.s32 $0x1  }
0xf: {  	s11 =	simm.s32 $0x3;
	s13 =	simm.s32 $0x0;
	s8 =	sshrl.u32 s2, $0x11  }
0x10: {  	s12 =	simm.s32 $0x0;
	s5 =	sadd.s32 $0x400, s9;
	s10 =	smul.u32 $0xC8, s8  }
.Ltmp0:
0x11: {  	s9 =	sadd.s32 $0x13E00, s9;
	s2 =	rddreg [dreg:$0x2];
	(pc) =	sbr.rel .LBB2_1-.Ltmp0, $4  }
0x12: {  	_ =	strace $0x8000004A;
	p0 =	sne.s32 s7, s10;
	s10 =	simm.s32 $0x1  }
0x13: {  	[sflag:s6] =	ssyncpa.u1 $0x0;
	s7 =	simm.s32 $0x2;
	s10 =	simm.s32 @!p0 $0x0  }
0x14: {  	[sflag:s7] =	ssyncpa.u1 $0x0;
	p0 =	por $0x0, $0x0;
	s8 =	sadd.s32 s8, s10  }
0x15: {  	vm0 =	vmmov $0xff;
	vm1 =	vcmask $0x3F20;
	[sflag:s11] =	ssyncpa.u1 $0x0;
	s11 =	smov.u32 s1;
	s10 =	sadd.s32 $0x1, s8  }
.LBB2_6:
0x16: {  	[hbm:s17] =	stream.linear.scatter [tilespmem:s14], [sflag:$0x3], $0x400, $0x38;
	[tilespmem:$0xC990] =	vst v63  }
.LBB2_7:
0x17: {  	s13 =	sadd.s32 $0xC8, s11  }
0x18: {  	s15 =	smov.u32 s1;
	p2 =	slt.s32 s13, s3  }
0x19: {  	s15 =	smov.u32 @p2 s13;
	p2 =	sne.s32 s12, s10  }
.Ltmp1:
0x1a: {  	p1 =	slt.u32 s12, $0x2;
	(pc) =	sbr.rel @!p2 .LBB2_8-.Ltmp1, $4  }
0x1b: {  	s14 =	simm.s32 @!p1 $0x3  }
0x1c: {  	s16 =	sadd.s32 $0x1, s12;
	_ =	swait.ge @!p1 [sflag:s14], $0x6400  }
0x1d: {  	p0 =	por !p0, !p0;
	s13 =	smov.u32 s11;
	[sflag:s14] =	ssyncset.done @!p1 $0x0  }
0x1e: {  	s12 =	smov.u32 s16;
	s11 =	smov.u32 s15;
	[sflag:s14] =	ssyncadd.s32 @!p1 $0xFFFF9C00  }
.LBB2_1:
0x1f: {  	p1 =	sge.u32 s12, s8  }
0x20: {  	s14 =	sxor.u32 @!p1 $0xFFFFFFFF, s12  }
0x21: {  	s14 =	sand.u32 @!p1 $0x1, s14  }
0x22: {  	s14 =	smul.u32 @!p1 $0x320, s14  }
0x23: {  	s31 =	sadd.s32 $0xFFFFFFFF, s12;
	s15 =	sshrl.u32 @!p1 s11, $0x3  }
0x24: {  	s16 =	sand.u32 @!p1 $0x7, s11;
	s15 =	sadd.s32 @!p1 s4, s15;
	s14 =	sshrl.u32 @!p1 s14, $0x2  }
0x25: {  	[tilespmem:s14], [sflag:$0x2] =	stream.linear.gather @!p1 [hbm4b:s15+s16], $0xC8, $0x38;
	[tilespmem:$0xC990] =	vst v63  }
0x26: {  	p1 =	sge.u32 s31, s8  }
.Ltmp2:
0x27: {  	_ = 	snop;
	(pc) =	sbr.rel @p1 .LBB2_7-.Ltmp2, $1  }
0x28: {  	_ =	sdelay $0x3  }
0x29: {  	s14 =	simm.s32 $0x1  }
0x2a: {  	s14 =	simm.s32 @!p0 $0x0  }
0x2b: {  	s15 =	smul.u32 $0x320, s14  }
0x2c: {  	_ =	swait.ge [sflag:s7], $0xC8  }
0x2d: {  	[sflag:s7] =	ssyncset.done $0x0;
	s16 =	sshrl.u32 s15, $0x2  }
0x2e: {  	[sflag:s7] =	ssyncadd.s32 $0xFFFFFF38;
	s15 =	sadd.s32 $0x0, s16  }
0x2f: {  	v0 =	vld.msk [tilespmem:s15+$0x0 ss:$0x1], $0xffff;
	_ =	sdelay $0x4  }
0x30: {  	vm2 =	vgt.s32 v0, $0x0  }
0x31: {  	v0 =	vnsel vm2, $0x0, v0  }
0x32: {  	v0 =	vmin.u32 v0, $0x1387  }
0x33: {  	v0 =	vshll.u32 v0, $0x4  }
0x34: {  	s14 =	smul.u32 $0x19000, s14  }
0x35: {  	s31 =	sand.u32 $0x1, s12  }
0x36: {  	s17 =	smul.u32 $0x320, s31;
	s14 =	sshrl.u32 s14, $0x2  }
0x37: {  	s19 =	smul.u32 $0x19000, s31;
	s14 =	sor.u32 $0x190, s14  }
0x38: {  	[tilespmem:s14], [sflag:$0x1] =	stream.indirect_vreg.gather [hbm:s5], $0x80, v0, vm0, $0x38;
	[tilespmem:$0xC990] =	vst v63  }
0x39: {  	s18 =	sshrl.u32 s17, $0x2;
	s20 =	sadd.s32 $0x10, s16;
	s15 =	sadd.s32 $0x400, s14  }
0x3a: {  	[tilespmem:s15], [sflag:$0x1] =	stream.indirect_vreg.gather [hbm:s5], $0x80, v0, vm1, $0x38;
	[tilespmem:$0xC990] =	vst v63  }
0x3b: {  	s17 =	sshrl.u32 s19, $0x2;
	s19 =	smov.u32 s14;
	v0 =	vld.msk [tilespmem:s20+$0x0 ss:$0x1], $0xffff;
	s20 =	simm.s32 $0x80  }
.LBB2_3:
0x3c: {  	p1 =	sne.s32 s20, $0x2C0;
	_ =	sdelay $0x4  }
0x3d: {  	vm2 =	vgt.s32 v0, $0x0  }
0x3e: {  	v0 =	vnsel vm2, $0x0, v0  }
0x3f: {  	v0 =	vmin.u32 v0, $0x1387  }
0x40: {  	v0 =	vshll.u32 v0, $0x4;
	_ =	sdelay $0x3  }
.Ltmp3:
0x41: {  	s21 =	sshra.s32 s20, $0x2;
	s19 =	sadd.s32 $0x800, s19;
	(pc) =	sbr.rel @p1 .LBB2_3-.Ltmp3, $4  }
0x42: {  	[tilespmem:s19], [sflag:$0x1] =	stream.indirect_vreg.gather [hbm:s5], $0x80, v0, vm0, $0x38;
	[tilespmem:$0xC990] =	vst v63  }
0x43: {  	s21 =	sadd.s32 s21, s16;
	s22 =	sadd.s32 $0x400, s19  }
0x44: {  	[tilespmem:s22], [sflag:$0x1] =	stream.indirect_vreg.gather [hbm:s5], $0x80, v0, vm1, $0x38;
	[tilespmem:$0xC990] =	vst v63  }
0x45: {  	s20 =	sadd.s32 $0x40, s20;
	v0 =	vld.msk [tilespmem:s21+$0x0 ss:$0x1], $0xffff  }
0x46: {  	_ =	sdelay $0x3  }
0x47: {  	vm2 =	vgt.s32 v0, $0x0  }
0x48: {  	v0 =	vnsel vm2, $0x0, v0  }
0x49: {  	v0 =	vmin.u32 v0, $0x1387  }
0x4a: {  	v0 =	vshll.u32 v0, $0x4;
	_ =	sdelay $0x3  }
0x4b: {  	s16 =	sadd.s32 $0x800, s19  }
0x4c: {  	[tilespmem:s16], [sflag:$0x1] =	stream.indirect_vreg.gather [hbm:s5], $0x80, v0, vm0, $0x38;
	[tilespmem:$0xC990] =	vst v63  }
0x4d: {  	s16 =	sadd.s32 $0x400, s16  }
0x4e: {  	[tilespmem:s16], [sflag:$0x1] =	stream.indirect_vreg.gather [hbm:s5], $0x80, v0, vm1, $0x38;
	[tilespmem:$0xC990] =	vst v63  }
0x4f: {  	v0 =	vld.msk [tilespmem:s18+$0xC0 ss:$0x1], $0xff;
	_ =	sdelay $0x4  }
0x50: {  	vm2 =	vgt.s32 v0, $0x0  }
0x51: {  	v0 =	vnsel vm2, $0x0, v0  }
0x52: {  	v0 =	vmin.u32 v0, $0x1387  }
0x53: {  	v0 =	vshll.u32 v0, $0x4;
	_ =	sdelay $0x3  }
0x54: {  	s31 =	sadd.s32 $0x6190, s17  }
0x55: {  	[tilespmem:s31], [sflag:$0x1] =	stream.indirect_vreg.gather [hbm:s5], $0x80, v0, vm0, $0x38;
	[tilespmem:$0xC990] =	vst v63  }
0x56: {  	s13 =	sshll.u32 s13, $0x4;
	_ =	swait.ge [sflag:s6], $0x6400  }
0x57: {  	s13 =	sadd.s32 s13, s9;
	[sflag:s6] =	ssyncset.done $0x0  }
0x58: {  	s17 =	sadd.s32 $0x0, s13;
	s16 =	simm.s32 $0x80;
	[sflag:s6] =	ssyncadd.s32 $0xFFFF9C00  }
.LBB2_5:
0x59: {  	[hbm:s17] =	stream.linear.scatter [tilespmem:s14], [sflag:$0x3], $0x400, $0x38;
	[tilespmem:$0xC990] =	vst v63  }
0x5a: {  	s17 =	smov.u32 s16;
	s14 =	smov.u32 s15;
	p1 =	sne.s32 s16, $0xC00  }
.Ltmp4:
0x5b: {  	s16 =	sadd.s32 $0x80, s16;
	(pc) =	sbr.rel @p1 .LBB2_5-.Ltmp4, $2  }
0x5c: {  	_ =	sdelay $0x2  }
0x5d: {  	s15 =	sadd.s32 $0x400, s15;
	s17 =	sadd.s32 s17, s13  }
.Ltmp5:
0x5e: {  	_ = 	snop;
	(pc) =	sbr.rel .LBB2_6-.Ltmp5, $1  }
0x5f: {  	_ =	sdelay $0x3  }
.LBB2_8:
0x60: {  	_ =	sfence.sel $0x180000  }
0x61: {  	s1 =	simm.s32 $0x2;
	[bflag:$0x0] =	sbarrier.arrive $0xFFFF  }
0x62: {  	s30 =	simm.s32 $0x3;
	[sflag:s1] =	ssyncpa.u1 $0x1  }
0x63: {  	s31 =	simm.s32 $0x1;
	[sflag:s30] =	ssyncpa.u1 $0x1  }
0x64: {  	[sflag:s31] =	ssyncpa.u1 $0x1  }
0x65: {  	p0 =	sne.s32 s0, $0x0;
	_ =	strace $0x9000004A  }
0x66: {  	s0 =	sadd.s32 @!p0 $0x100000, s2;
	[bflag:$0x2] =	sbarrier.arrive $0xFFFF  }
0x67: {  	[sflag:s0] =	ssyncadd.tile.s32 @!p0 $0x1;
	_ =	shalt  }
.Lfunc_end2:
_tile_overlayer_lowered:
.L_overlay_start_2:
0x68: {  	(tag) =	ssettag $0x2  }
0x69: {  	s0 =	rddreg [dreg:$0x0];
	s2 =	stileid.u32  }
0x6a: {  	s1 =	rddreg [dreg:$0x1];
	p0 =	sne.s32 s2, $0x0  }
0x6b: {  	s3 =	rddreg [dreg:$0x2];
	[bflag:$0x3] =	sbarrier.arrive $0xFFFF;
	s2 =	simm.s32 @!p0 $0x1C01  }
0x6c: {  	[timem:s3], [sflag:s2] =	dma.local @!p0 [hbm:s0], s1  }
0x6d: {  	s0 =	simm.s32 @!p0 $0x1  }
0x6e: {  	_ =	swait.ge @!p0 [sflag:s0], s1  }
0x6f: {  	s1 =	ssub.s32 @!p0 $0x0, s1;
	[sflag:s0] =	ssyncset.done @!p0 $0x0  }
0x70: {  	[sflag:s0] =	ssyncadd.s32 @!p0 s1  }
0x71: {  	[bflag:$0x3] =	sbarrier.arrive $0xFFFF  }
0x72: {  	_ =	shalt  }

</sc_bundles>
